<compile_context>
chip_gen: v7x
topology: tpu7x:2x2x1
jax: 0.10.2.dev20260603
libtpu: 0.0.44.dev20260713+nightly
codegen_flags: <defaults>
</compile_context>

<pallas_src>
import jax
import jax.numpy as jnp
from jax import lax
from jax.experimental import pallas as pl
from jax.experimental.pallas import tpu as pltpu
from jax.experimental.pallas import tpu_sc as plsc

D_MODEL = 128
NBIN = 65
L = 512

NUM_CORES = 2
NUM_SUBCORES = 16
LANES = 16
NW = NUM_CORES * NUM_SUBCORES
ROWS_PER_W = L // NW
CHUNK = 64
NCHUNK = L // CHUNK
NT = ROWS_PER_W * NCHUNK


def _drain(buf, out_hbm, sem, n):
    def w(_, c):
        pltpu.make_async_copy(buf, out_hbm.at[pl.ds(0, CHUNK)], sem).wait()
        return c
    lax.fori_loop(0, n, w, 0)


def _seqsep_body(idx_hbm, idx2_hbm, table_hbm, out_hbm,
                 idx_v, idx2_v, ib_f, tstage, table_sh,
                 rbuf0, rbuf1, ring0, ring1,
                 wsem0, wsem1, rsem, gsem0, gsem1, vsem0, vsem1):
    cid = lax.axis_index("c")
    sid = lax.axis_index("s")
    wid = sid * NUM_CORES + cid
    i0 = wid * ROWS_PER_W
    row0 = i0 * L

    @pl.when(sid == 0)
    def _():
        pltpu.sync_copy(table_hbm, tstage)
        pltpu.sync_copy(tstage, table_sh)

    pltpu.sync_copy(idx_hbm.at[pl.ds(i0, ROWS_PER_W)], idx_v)
    pltpu.sync_copy(idx2_hbm, idx2_v)

    lane = lax.iota(jnp.int32, LANES)
    idx_vals = idx_v[...]

    plsc.subcore_barrier()

    def step(t, carry):
        b0, b1, n0, n1, victim, u0, u1, par = carry
        out_at = out_hbm.at[pl.ds(row0 + t * CHUNK, CHUNK)]

        il = t // NCHUNK
        c = t - il * NCHUNK
        idx_i = jnp.sum(jnp.where(lane == il, idx_vals, 0))
        mnv = None
        for k in range(CHUNK // LANES):
            j2 = idx2_v[pl.ds(c * CHUNK + k * LANES, LANES)]
            ib = jnp.clip(j2 - idx_i + 32, 0, NBIN - 1)
            ib_f[pl.ds(t * CHUNK + k * LANES, LANES)] = ib
            mnv = ib if mnv is None else jnp.minimum(mnv, ib)
            mxv = ib if k == 0 else jnp.maximum(mxv, ib)
        mn = jnp.min(mnv)
        mx = jnp.max(mxv)

        uniform = mn == mx
        hit0 = uniform & (mn == b0)
        hit1 = uniform & (mn == b1) & ~hit0
        miss = uniform & ~hit0 & ~hit1
        mixed = ~uniform

        @pl.when(hit0)
        def _():
            pltpu.async_copy(rbuf0, out_at, wsem0)

        @pl.when(hit1)
        def _():
            pltpu.async_copy(rbuf1, out_at, wsem1)

        @pl.when(miss & (victim == 0))
        def _():
            _drain(rbuf0, out_hbm, wsem0, n0)
            pltpu.async_copy(table_sh.at[ib_f.at[pl.ds(t * CHUNK, CHUNK)]], rbuf0, rsem).wait()
            pltpu.async_copy(rbuf0, out_at, wsem0)

        @pl.when(miss & (victim == 1))
        def _():
            _drain(rbuf1, out_hbm, wsem1, n1)
            pltpu.async_copy(table_sh.at[ib_f.at[pl.ds(t * CHUNK, CHUNK)]], rbuf1, rsem).wait()
            pltpu.async_copy(rbuf1, out_at, wsem1)

        @pl.when(mixed & (par == 0))
        def _():
            @pl.when(u0 > 0)
            def _():
                pltpu.make_async_copy(ring0, out_at, vsem0).wait()
            pltpu.async_copy(table_sh.at[ib_f.at[pl.ds(t * CHUNK, CHUNK)]], ring0, gsem0).wait()
            pltpu.async_copy(ring0, out_at, vsem0)

        @pl.when(mixed & (par == 1))
        def _():
            @pl.when(u1 > 0)
            def _():
                pltpu.make_async_copy(ring1, out_at, vsem1).wait()
            pltpu.async_copy(table_sh.at[ib_f.at[pl.ds(t * CHUNK, CHUNK)]], ring1, gsem1).wait()
            pltpu.async_copy(ring1, out_at, vsem1)

        m0 = miss & (victim == 0)
        m1 = miss & (victim == 1)
        b0 = jnp.where(m0, mn, b0)
        b1 = jnp.where(m1, mn, b1)
        n0 = jnp.where(m0, 1, n0 + hit0.astype(jnp.int32))
        n1 = jnp.where(m1, 1, n1 + hit1.astype(jnp.int32))
        victim = jnp.where(miss, 1 - victim, victim)
        u0 = jnp.where(mixed & (par == 0), 1, u0)
        u1 = jnp.where(mixed & (par == 1), 1, u1)
        par = jnp.where(mixed, 1 - par, par)
        return (b0, b1, n0, n1, victim, u0, u1, par)

    init = (jnp.int32(-1), jnp.int32(-1), jnp.int32(0), jnp.int32(0),
            jnp.int32(0), jnp.int32(0), jnp.int32(0), jnp.int32(0))
    b0, b1, n0, n1, victim, u0, u1, par = lax.fori_loop(0, NT, step, init)

    _drain(rbuf0, out_hbm, wsem0, n0)
    _drain(rbuf1, out_hbm, wsem1, n1)
    _drain(ring0, out_hbm, vsem0, u0)
    _drain(ring1, out_hbm, vsem1, u1)


@jax.jit
def _seqsep(idx, idx2, emb_weight):
    mesh = plsc.VectorSubcoreMesh(
        core_axis_name="c", subcore_axis_name="s",
        num_cores=NUM_CORES, num_subcores=NUM_SUBCORES)
    return pl.kernel(
        _seqsep_body,
        out_type=jax.ShapeDtypeStruct((L * L, D_MODEL), jnp.float32),
        mesh=mesh,
        compiler_params=pltpu.CompilerParams(needs_layout_passes=False),
        scratch_types=[
            pltpu.VMEM((ROWS_PER_W,), jnp.int32),
            pltpu.VMEM((L,), jnp.int32),
            pltpu.VMEM((NT * CHUNK,), jnp.int32),
            pltpu.VMEM((NBIN, D_MODEL), jnp.float32),
            pltpu.VMEM_SHARED((NBIN, D_MODEL), jnp.float32),
            pltpu.VMEM((CHUNK, D_MODEL), jnp.float32),
            pltpu.VMEM((CHUNK, D_MODEL), jnp.float32),
            pltpu.VMEM((CHUNK, D_MODEL), jnp.float32),
            pltpu.VMEM((CHUNK, D_MODEL), jnp.float32),
            pltpu.SemaphoreType.DMA,
            pltpu.SemaphoreType.DMA,
            pltpu.SemaphoreType.DMA,
            pltpu.SemaphoreType.DMA,
            pltpu.SemaphoreType.DMA,
            pltpu.SemaphoreType.DMA,
            pltpu.SemaphoreType.DMA,
        ],
    )(idx, idx2, emb_weight)


def kernel(idx, idx2, emb_weight):
    out = _seqsep(idx.reshape(L), idx2.reshape(L), emb_weight)
    return out.reshape(1, L, L, D_MODEL)

# --- scband reference (transcript-rebuilt; emitter-appended) ---
"""Pipeline reference for scband-seq-sep-10668698763283 (READ-ONLY COPY).

The authoritative reference and input builder live on the scoring server;
editing this copy changes nothing except your own understanding.
"""

import jax, jax.numpy as jnp
import numpy as np

D_MODEL = 128
MINPOS = -32
MAXPOS = 32
NBIN = abs(MINPOS) + MAXPOS + 1  # 65
B = 1
L = 512


def setup_inputs(seed: int = 0) -> dict:
    key = jax.random.key(seed)
    idx = jnp.arange(B * L, dtype=jnp.int32).reshape(B, L)
    idx2 = jnp.arange(B * L, dtype=jnp.int32).reshape(B, L)
    k_w = jax.random.fold_in(key, 1)
    emb_weight = jax.random.normal(k_w, (NBIN, D_MODEL), dtype=jnp.float32)
    return {"idx": idx, "idx2": idx2, "emb_weight": emb_weight}


def reference(idx, idx2, emb_weight):
    # Faithful translation of SeqSep.forward with idx2 given, oligo=1, L=0, nc_cycle=False
    oligo = 1
    B_, L1 = idx.shape[0], idx.shape[1]
    L2 = idx2.shape[1]
    # bins = arange(minpos, maxpos)  -> 64 boundaries
    bins = jnp.arange(MINPOS, MAXPOS, dtype=idx.dtype)
    seqsep = jnp.full((oligo, L1, L2), 100, dtype=idx.dtype)
    diff = idx2[:, None, :] - idx[:, :, None]  # (B, L1, L2); B == 1 so squeeze into slot 0
    seqsep = seqsep.at[0].set(diff[0])
    # torch.bucketize(x, bins) with right=False == searchsorted side='left'
    ib = jnp.searchsorted(bins, seqsep, side="left").astype(jnp.int32)
    emb = jnp.take(emb_weight, ib, axis=0)  # (oligo, L1, L2, d_model)
    return emb

if __name__ == "__main__":
    import jax
    _d = setup_inputs()
    print(jax.jit(kernel)(*tuple(_d.values())))

</pallas_src>

<mosaic_0001>
#map = affine_map<(d0, d1) -> (0)>
#map1 = affine_map<(d0, d1) -> (0, 0)>
module attributes {stable_mosaic.version = 14 : i64} {
  func.func @_seqsep_body(%arg0: i32, %arg1: i32, %arg2: memref<512xi32, #tpu.memory_space<hbm>>, %arg3: memref<512xi32, #tpu.memory_space<hbm>>, %arg4: memref<65x128xf32, #tpu.memory_space<hbm>>, %arg5: memref<262144x128xf32, #tpu.memory_space<hbm>>, %arg6: memref<16xi32, #tpu.memory_space<vmem>>, %arg7: memref<512xi32, #tpu.memory_space<vmem>>, %arg8: memref<8192xi32, #tpu.memory_space<vmem>>, %arg9: memref<65x128xf32, #tpu.memory_space<vmem>>, %arg10: memref<65x128xf32, #tpu.memory_space<vmem_shared>>, %arg11: memref<64x128xf32, #tpu.memory_space<vmem>>, %arg12: memref<64x128xf32, #tpu.memory_space<vmem>>, %arg13: memref<64x128xf32, #tpu.memory_space<vmem>>, %arg14: memref<64x128xf32, #tpu.memory_space<vmem>>, %arg15: memref<!tpu.dma_semaphore, #tpu.memory_space<semaphore_mem>>, %arg16: memref<!tpu.dma_semaphore, #tpu.memory_space<semaphore_mem>>, %arg17: memref<!tpu.dma_semaphore, #tpu.memory_space<semaphore_mem>>, %arg18: memref<!tpu.dma_semaphore, #tpu.memory_space<semaphore_mem>>, %arg19: memref<!tpu.dma_semaphore, #tpu.memory_space<semaphore_mem>>, %arg20: memref<!tpu.dma_semaphore, #tpu.memory_space<semaphore_mem>>, %arg21: memref<!tpu.dma_semaphore, #tpu.memory_space<semaphore_mem>>) attributes {dimension_semantics = [#tpu.dimension_semantics<core_parallel>, #tpu.dimension_semantics<subcore_parallel>], iteration_bounds = array<i64: 2, 16>, scalar_prefetch = 0 : i64, scratch_operands = 16 : i64, tpu.core_type = #tpu.core_type<sc_vector_subcore>, window_params = [{transform_indices = #map}, {transform_indices = #map}, {transform_indices = #map1}, {transform_indices = #map1}]} {
    %mul3A = arith.constant 2 : i32
    %mul3A_0 = arith.muli %arg1, %mul3A : i32
    %add3A = arith.addi %mul3A_0, %arg0 : i32
    %mul3A_1 = arith.constant 16 : i32
    %mul3A_2 = arith.muli %add3A, %mul3A_1 : i32
    %mul3A_3 = arith.constant 512 : i32
    %mul3A_4 = arith.muli %mul3A_2, %mul3A_3 : i32
    %eq3A = arith.constant 0 : i32
    %eq3A_5 = arith.cmpi eq, %arg1, %eq3A : i32
    %convert_element_type3A = arith.extui %eq3A_5 : i1 to i32
    %cond3A = arith.constant 0 : i32
    %cond3A_6 = arith.cmpi ne, %convert_element_type3A, %cond3A : i32
    scf.if %cond3A_6 {
      "tpu.region"() ({
        %run_scoped3A = tpu.sem_alloc : memref<!tpu.dma_semaphore, #tpu.memory_space<semaphore_mem>>
        tpu.enqueue_dma source(%arg4 : memref<65x128xf32, #tpu.memory_space<hbm>>) target(%arg9 : memref<65x128xf32, #tpu.memory_space<vmem>>) target_semaphore(%run_scoped3A : memref<!tpu.dma_semaphore, #tpu.memory_space<semaphore_mem>>)
        tpu.wait_dma2 semaphore(%run_scoped3A : memref<!tpu.dma_semaphore, #tpu.memory_space<semaphore_mem>>) src(%arg4 : memref<65x128xf32, #tpu.memory_space<hbm>>) dst(%arg9 : memref<65x128xf32, #tpu.memory_space<vmem>>)
        tpu.yield
      }) : () -> ()
      "tpu.region"() ({
        %run_scoped3A = tpu.sem_alloc : memref<!tpu.dma_semaphore, #tpu.memory_space<semaphore_mem>>
        tpu.enqueue_dma source(%arg9 : memref<65x128xf32, #tpu.memory_space<vmem>>) target(%arg10 : memref<65x128xf32, #tpu.memory_space<vmem_shared>>) target_semaphore(%run_scoped3A : memref<!tpu.dma_semaphore, #tpu.memory_space<semaphore_mem>>)
        tpu.wait_dma2 semaphore(%run_scoped3A : memref<!tpu.dma_semaphore, #tpu.memory_space<semaphore_mem>>) src(%arg9 : memref<65x128xf32, #tpu.memory_space<vmem>>) dst(%arg10 : memref<65x128xf32, #tpu.memory_space<vmem_shared>>)
        tpu.yield
      }) : () -> ()
    } else {
    }
    "tpu.region"() ({
      %run_scoped3A = tpu.sem_alloc : memref<!tpu.dma_semaphore, #tpu.memory_space<semaphore_mem>>
      %dma_start3A = tpu.memref_slice %arg2[%mul3A_2] : memref<512xi32, #tpu.memory_space<hbm>> -> memref<16xi32, #tpu.memory_space<hbm>>
      %dma_start3A_60 = tpu.memref_slice %arg2[%mul3A_2] : memref<512xi32, #tpu.memory_space<hbm>> -> memref<16xi32, #tpu.memory_space<hbm>>
      tpu.enqueue_dma source(%dma_start3A_60 : memref<16xi32, #tpu.memory_space<hbm>>) target(%arg6 : memref<16xi32, #tpu.memory_space<vmem>>) target_semaphore(%run_scoped3A : memref<!tpu.dma_semaphore, #tpu.memory_space<semaphore_mem>>)
      %dma_wait3A = tpu.memref_slice %arg2[%mul3A_2] : memref<512xi32, #tpu.memory_space<hbm>> -> memref<16xi32, #tpu.memory_space<hbm>>
      %dma_wait3A_61 = tpu.memref_slice %arg2[%mul3A_2] : memref<512xi32, #tpu.memory_space<hbm>> -> memref<16xi32, #tpu.memory_space<hbm>>
      tpu.wait_dma2 semaphore(%run_scoped3A : memref<!tpu.dma_semaphore, #tpu.memory_space<semaphore_mem>>) src(%dma_wait3A_61 : memref<16xi32, #tpu.memory_space<hbm>>) dst(%arg6 : memref<16xi32, #tpu.memory_space<vmem>>)
      tpu.yield
    }) : () -> ()
    "tpu.region"() ({
      %run_scoped3A = tpu.sem_alloc : memref<!tpu.dma_semaphore, #tpu.memory_space<semaphore_mem>>
      tpu.enqueue_dma source(%arg3 : memref<512xi32, #tpu.memory_space<hbm>>) target(%arg7 : memref<512xi32, #tpu.memory_space<vmem>>) target_semaphore(%run_scoped3A : memref<!tpu.dma_semaphore, #tpu.memory_space<semaphore_mem>>)
      tpu.wait_dma2 semaphore(%run_scoped3A : memref<!tpu.dma_semaphore, #tpu.memory_space<semaphore_mem>>) src(%arg3 : memref<512xi32, #tpu.memory_space<hbm>>) dst(%arg7 : memref<512xi32, #tpu.memory_space<vmem>>)
      tpu.yield
    }) : () -> ()
    %iota3A = tpu.iota {dimensions = array<i32: 0>} : vector<16xi32>
    %get3A = arith.constant 0 : index
    %get3A_7 = tpu.vector_load %arg6[%get3A] {strides = array<i32>} : memref<16xi32, #tpu.memory_space<vmem>>, vector<16xi32>,
    %barrier3A = arith.constant 0 : index
    tpu.barrier barrier_id(%barrier3A)
    %scan3A = arith.constant -1 : i32
    %scan3A_8 = arith.constant -1 : i32
    %scan3A_9 = arith.constant 0 : i32
    %scan3A_10 = arith.constant 0 : i32
    %scan3A_11 = arith.constant 0 : i32
    %scan3A_12 = arith.constant 0 : i32
    %scan3A_13 = arith.constant 0 : i32
    %scan3A_14 = arith.constant 0 : i32
    %scan3A_15 = arith.constant 0 : i32
    %scan3A_16 = arith.constant 128 : i32
    %scan3A_17 = arith.addi %scan3A_15, %scan3A_16 : i32
    %scan3A_18 = arith.constant 1 : i32
    %scan3A_19:8 = scf.for %scan3A_60 = %scan3A_15 to %scan3A_17 step %scan3A_18 iter_args(%scan3A_61 = %scan3A, %scan3A_62 = %scan3A_8, %scan3A_63 = %scan3A_9, %scan3A_64 = %scan3A_10, %scan3A_65 = %scan3A_11, %scan3A_66 = %scan3A_12, %scan3A_67 = %scan3A_13, %scan3A_68 = %scan3A_14) -> (i32, i32, i32, i32, i32, i32, i32, i32)  : i32 {
      %mul3A_69 = arith.constant 64 : i32
      %mul3A_70 = arith.muli %scan3A_60, %mul3A_69 : i32
      %add3A_71 = arith.addi %mul3A_4, %mul3A_70 : i32
      %jit3A = arith.constant 8 : i32
      %div3A = arith.divsi %scan3A_60, %jit3A : i32
      %sign3A = arith.constant 0 : i32
      %sign3A_72 = arith.cmpi sgt, %scan3A_60, %sign3A : i32
      %sign3A_73 = arith.extui %sign3A_72 : i1 to i32
      %sign3A_74 = arith.constant 0 : i32
      %sign3A_75 = arith.cmpi slt, %scan3A_60, %sign3A_74 : i32
      %sign3A_76 = arith.extui %sign3A_75 : i1 to i32
      %sign3A_77 = arith.subi %sign3A_73, %sign3A_76 : i32
      %sign3A_78 = arith.constant 0 : i32
      %sign3A_79 = arith.cmpi sgt, %jit3A, %sign3A_78 : i32
      %sign3A_80 = arith.extui %sign3A_79 : i1 to i32
      %sign3A_81 = arith.constant 0 : i32
      %sign3A_82 = arith.cmpi slt, %jit3A, %sign3A_81 : i32
      %sign3A_83 = arith.extui %sign3A_82 : i1 to i32
      %sign3A_84 = arith.subi %sign3A_80, %sign3A_83 : i32
      %ne3A = arith.cmpi ne, %sign3A_77, %sign3A_84 : i32
      %rem3A = arith.remsi %scan3A_60, %jit3A : i32
      %ne3A_85 = arith.constant 0 : i32
      %ne3A_86 = arith.cmpi ne, %rem3A, %ne3A_85 : i32
      %and3A = arith.andi %ne3A, %ne3A_86 : i1
      %sub3A = arith.constant 1 : i32
      %sub3A_87 = arith.subi %div3A, %sub3A : i32
      %select_n3A = arith.select %and3A, %sub3A_87, %div3A : i32
      %mul3A_88 = arith.constant 8 : i32
      %mul3A_89 = arith.muli %select_n3A, %mul3A_88 : i32
      %sub3A_90 = arith.subi %scan3A_60, %mul3A_89 : i32
      %eq3A_91 = vector.broadcast %select_n3A : i32 to vector<16xi32>
      %eq3A_92 = arith.cmpi eq, %iota3A, %eq3A_91 : vector<16xi32>
      %jit3A_93 = arith.constant 0 : i32
      %broadcast_in_dim3A = vector.broadcast %jit3A_93 : i32 to vector<16xi32>
      %select_n3A_94 = arith.select %eq3A_92, %get3A_7, %broadcast_in_dim3A : vector<16xi1>, vector<16xi32>
      %reduce_sum3A = arith.constant true
      %reduce_sum3A_95 = vector.broadcast %reduce_sum3A : i1 to vector<16xi1>
      %reduce_sum3A_96 = tpu.scan <sum>, %select_n3A_94 masked %reduce_sum3A_95 : vector<16xi32>, vector<16xi1> -> vector<16xi32>
      %reduce_sum3A_97 = vector.extract %reduce_sum3A_96[15] : i32 from vector<16xi32>
      %mul3A_98 = arith.constant 64 : i32
      %mul3A_99 = arith.muli %sub3A_90, %mul3A_98 : i32
      %add3A_100 = arith.constant 0 : i32
      %add3A_101 = arith.addi %mul3A_99, %add3A_100 : i32
      %get3A_102 = arith.index_cast %add3A_101 : i32 to index
      %get3A_103 = tpu.vector_load %arg7[%get3A_102] {strides = array<i32>} : memref<512xi32, #tpu.memory_space<vmem>>, vector<16xi32>,
      %sub3A_104 = vector.broadcast %reduce_sum3A_97 : i32 to vector<16xi32>
      %sub3A_105 = arith.subi %get3A_103, %sub3A_104 : vector<16xi32>
      %add3A_106 = arith.constant 32 : i32
      %add3A_107 = vector.broadcast %add3A_106 : i32 to vector<16xi32>
      %add3A_108 = arith.addi %sub3A_105, %add3A_107 : vector<16xi32>
      %jit3A_109 = arith.constant 0 : i32
      %jit3A_110 = arith.constant 64 : i32
      %max3A = vector.broadcast %jit3A_109 : i32 to vector<16xi32>
      %max3A_111 = arith.maxsi %max3A, %add3A_108 : vector<16xi32>
      %min3A = vector.broadcast %jit3A_110 : i32 to vector<16xi32>
      %min3A_112 = arith.minsi %min3A, %max3A_111 : vector<16xi32>
      %mul3A_113 = arith.constant 64 : i32
      %mul3A_114 = arith.muli %scan3A_60, %mul3A_113 : i32
      %add3A_115 = arith.constant 0 : i32
      %add3A_116 = arith.addi %mul3A_114, %add3A_115 : i32
      %swap3A = arith.index_cast %add3A_116 : i32 to index
      %swap3A_117 = tpu.vector_load %arg8[%swap3A] {strides = array<i32>} : memref<8192xi32, #tpu.memory_space<vmem>>, vector<16xi32>,
      tpu.vector_store %arg8[%swap3A], %min3A_112 {strides = array<i32>} : memref<8192xi32, #tpu.memory_space<vmem>>, vector<16xi32>,
      %mul3A_118 = arith.constant 64 : i32
      %mul3A_119 = arith.muli %sub3A_90, %mul3A_118 : i32
      %add3A_120 = arith.constant 16 : i32
      %add3A_121 = arith.addi %mul3A_119, %add3A_120 : i32
      %get3A_122 = arith.index_cast %add3A_121 : i32 to index
      %get3A_123 = tpu.vector_load %arg7[%get3A_122] {strides = array<i32>} : memref<512xi32, #tpu.memory_space<vmem>>, vector<16xi32>,
      %sub3A_124 = vector.broadcast %reduce_sum3A_97 : i32 to vector<16xi32>
      %sub3A_125 = arith.subi %get3A_123, %sub3A_124 : vector<16xi32>
      %add3A_126 = arith.constant 32 : i32
      %add3A_127 = vector.broadcast %add3A_126 : i32 to vector<16xi32>
      %add3A_128 = arith.addi %sub3A_125, %add3A_127 : vector<16xi32>
      %jit3A_129 = arith.constant 0 : i32
      %jit3A_130 = arith.constant 64 : i32
      %max3A_131 = vector.broadcast %jit3A_129 : i32 to vector<16xi32>
      %max3A_132 = arith.maxsi %max3A_131, %add3A_128 : vector<16xi32>
      %min3A_133 = vector.broadcast %jit3A_130 : i32 to vector<16xi32>
      %min3A_134 = arith.minsi %min3A_133, %max3A_132 : vector<16xi32>
      %mul3A_135 = arith.constant 64 : i32
      %mul3A_136 = arith.muli %scan3A_60, %mul3A_135 : i32
      %add3A_137 = arith.constant 16 : i32
      %add3A_138 = arith.addi %mul3A_136, %add3A_137 : i32
      %swap3A_139 = arith.index_cast %add3A_138 : i32 to index
      %swap3A_140 = tpu.vector_load %arg8[%swap3A_139] {strides = array<i32>} : memref<8192xi32, #tpu.memory_space<vmem>>, vector<16xi32>,
      tpu.vector_store %arg8[%swap3A_139], %min3A_134 {strides = array<i32>} : memref<8192xi32, #tpu.memory_space<vmem>>, vector<16xi32>,
      %min3A_141 = arith.minsi %min3A_112, %min3A_134 : vector<16xi32>
      %max3A_142 = arith.maxsi %min3A_112, %min3A_134 : vector<16xi32>
      %mul3A_143 = arith.constant 64 : i32
      %mul3A_144 = arith.muli %sub3A_90, %mul3A_143 : i32
      %add3A_145 = arith.constant 32 : i32
      %add3A_146 = arith.addi %mul3A_144, %add3A_145 : i32
      %get3A_147 = arith.index_cast %add3A_146 : i32 to index
      %get3A_148 = tpu.vector_load %arg7[%get3A_147] {strides = array<i32>} : memref<512xi32, #tpu.memory_space<vmem>>, vector<16xi32>,
      %sub3A_149 = vector.broadcast %reduce_sum3A_97 : i32 to vector<16xi32>
      %sub3A_150 = arith.subi %get3A_148, %sub3A_149 : vector<16xi32>
      %add3A_151 = arith.constant 32 : i32
      %add3A_152 = vector.broadcast %add3A_151 : i32 to vector<16xi32>
      %add3A_153 = arith.addi %sub3A_150, %add3A_152 : vector<16xi32>
      %jit3A_154 = arith.constant 0 : i32
      %jit3A_155 = arith.constant 64 : i32
      %max3A_156 = vector.broadcast %jit3A_154 : i32 to vector<16xi32>
      %max3A_157 = arith.maxsi %max3A_156, %add3A_153 : vector<16xi32>
      %min3A_158 = vector.broadcast %jit3A_155 : i32 to vector<16xi32>
      %min3A_159 = arith.minsi %min3A_158, %max3A_157 : vector<16xi32>
      %mul3A_160 = arith.constant 64 : i32
      %mul3A_161 = arith.muli %scan3A_60, %mul3A_160 : i32
      %add3A_162 = arith.constant 32 : i32
      %add3A_163 = arith.addi %mul3A_161, %add3A_162 : i32
      %swap3A_164 = arith.index_cast %add3A_163 : i32 to index
      %swap3A_165 = tpu.vector_load %arg8[%swap3A_164] {strides = array<i32>} : memref<8192xi32, #tpu.memory_space<vmem>>, vector<16xi32>,
      tpu.vector_store %arg8[%swap3A_164], %min3A_159 {strides = array<i32>} : memref<8192xi32, #tpu.memory_space<vmem>>, vector<16xi32>,
      %min3A_166 = arith.minsi %min3A_141, %min3A_159 : vector<16xi32>
      %max3A_167 = arith.maxsi %max3A_142, %min3A_159 : vector<16xi32>
      %mul3A_168 = arith.constant 64 : i32
      %mul3A_169 = arith.muli %sub3A_90, %mul3A_168 : i32
      %add3A_170 = arith.constant 48 : i32
      %add3A_171 = arith.addi %mul3A_169, %add3A_170 : i32
      %get3A_172 = arith.index_cast %add3A_171 : i32 to index
      %get3A_173 = tpu.vector_load %arg7[%get3A_172] {strides = array<i32>} : memref<512xi32, #tpu.memory_space<vmem>>, vector<16xi32>,
      %sub3A_174 = vector.broadcast %reduce_sum3A_97 : i32 to vector<16xi32>
      %sub3A_175 = arith.subi %get3A_173, %sub3A_174 : vector<16xi32>
      %add3A_176 = arith.constant 32 : i32
      %add3A_177 = vector.broadcast %add3A_176 : i32 to vector<16xi32>
      %add3A_178 = arith.addi %sub3A_175, %add3A_177 : vector<16xi32>
      %jit3A_179 = arith.constant 0 : i32
      %jit3A_180 = arith.constant 64 : i32
      %max3A_181 = vector.broadcast %jit3A_179 : i32 to vector<16xi32>
      %max3A_182 = arith.maxsi %max3A_181, %add3A_178 : vector<16xi32>
      %min3A_183 = vector.broadcast %jit3A_180 : i32 to vector<16xi32>
      %min3A_184 = arith.minsi %min3A_183, %max3A_182 : vector<16xi32>
      %mul3A_185 = arith.constant 64 : i32
      %mul3A_186 = arith.muli %scan3A_60, %mul3A_185 : i32
      %add3A_187 = arith.constant 48 : i32
      %add3A_188 = arith.addi %mul3A_186, %add3A_187 : i32
      %swap3A_189 = arith.index_cast %add3A_188 : i32 to index
      %swap3A_190 = tpu.vector_load %arg8[%swap3A_189] {strides = array<i32>} : memref<8192xi32, #tpu.memory_space<vmem>>, vector<16xi32>,
      tpu.vector_store %arg8[%swap3A_189], %min3A_184 {strides = array<i32>} : memref<8192xi32, #tpu.memory_space<vmem>>, vector<16xi32>,
      %min3A_191 = arith.minsi %min3A_166, %min3A_184 : vector<16xi32>
      %max3A_192 = arith.maxsi %max3A_167, %min3A_184 : vector<16xi32>
      %reduce_min3A = arith.constant true
      %reduce_min3A_193 = vector.broadcast %reduce_min3A : i1 to vector<16xi1>
      %reduce_min3A_194 = arith.constant -2147483648 : i32
      %reduce_min3A_195 = vector.broadcast %reduce_min3A_194 : i32 to vector<16xi32>
      %reduce_min3A_196 = arith.xori %min3A_191, %reduce_min3A_195 : vector<16xi32>
      %reduce_min3A_197 = tpu.scan <min>, %reduce_min3A_196 masked %reduce_min3A_193 : vector<16xi32>, vector<16xi1> -> vector<16xi32>
      %reduce_min3A_198 = arith.xori %reduce_min3A_197, %reduce_min3A_195 : vector<16xi32>
      %reduce_min3A_199 = vector.extract %reduce_min3A_198[15] : i32 from vector<16xi32>
      %reduce_max3A = arith.constant true
      %reduce_max3A_200 = vector.broadcast %reduce_max3A : i1 to vector<16xi1>
      %reduce_max3A_201 = arith.constant -2147483648 : i32
      %reduce_max3A_202 = vector.broadcast %reduce_max3A_201 : i32 to vector<16xi32>
      %reduce_max3A_203 = arith.xori %max3A_192, %reduce_max3A_202 : vector<16xi32>
      %reduce_max3A_204 = tpu.scan <max>, %reduce_max3A_203 masked %reduce_max3A_200 : vector<16xi32>, vector<16xi1> -> vector<16xi32>
      %reduce_max3A_205 = arith.xori %reduce_max3A_204, %reduce_max3A_202 : vector<16xi32>
      %reduce_max3A_206 = vector.extract %reduce_max3A_205[15] : i32 from vector<16xi32>
      %eq3A_207 = arith.cmpi eq, %reduce_min3A_199, %reduce_max3A_206 : i32
      %eq3A_208 = arith.cmpi eq, %reduce_min3A_199, %scan3A_61 : i32
      %and3A_209 = arith.andi %eq3A_207, %eq3A_208 : i1
      %eq3A_210 = arith.cmpi eq, %reduce_min3A_199, %scan3A_62 : i32
      %and3A_211 = arith.andi %eq3A_207, %eq3A_210 : i1
      %not3A = arith.constant true
      %not3A_212 = arith.xori %and3A_209, %not3A : i1
      %and3A_213 = arith.andi %and3A_211, %not3A_212 : i1
      %not3A_214 = arith.constant true
      %not3A_215 = arith.xori %and3A_209, %not3A_214 : i1
      %and3A_216 = arith.andi %eq3A_207, %not3A_215 : i1
      %not3A_217 = arith.constant true
      %not3A_218 = arith.xori %and3A_213, %not3A_217 : i1
      %and3A_219 = arith.andi %and3A_216, %not3A_218 : i1
      %not3A_220 = arith.constant true
      %not3A_221 = arith.xori %eq3A_207, %not3A_220 : i1
      %convert_element_type3A_222 = arith.extui %and3A_209 : i1 to i32
      %cond3A_223 = arith.constant 0 : i32
      %cond3A_224 = arith.cmpi ne, %convert_element_type3A_222, %cond3A_223 : i32
      scf.if %cond3A_224 {
        %dma_start3A = arith.constant 0 : i32
        %dma_start3A_284 = tpu.memref_slice %arg5[%add3A_71, %dma_start3A] : memref<262144x128xf32, #tpu.memory_space<hbm>> -> memref<64x128xf32, #tpu.memory_space<hbm>>
        %dma_start3A_285 = arith.constant 0 : i32
        %dma_start3A_286 = tpu.memref_slice %arg5[%add3A_71, %dma_start3A_285] : memref<262144x128xf32, #tpu.memory_space<hbm>> -> memref<64x128xf32, #tpu.memory_space<hbm>>
        tpu.enqueue_dma source(%arg11 : memref<64x128xf32, #tpu.memory_space<vmem>>) target(%dma_start3A_286 : memref<64x128xf32, #tpu.memory_space<hbm>>) target_semaphore(%arg15 : memref<!tpu.dma_semaphore, #tpu.memory_space<semaphore_mem>>)
      } else {
      }
      %convert_element_type3A_225 = arith.extui %and3A_213 : i1 to i32
      %cond3A_226 = arith.constant 0 : i32
      %cond3A_227 = arith.cmpi ne, %convert_element_type3A_225, %cond3A_226 : i32
      scf.if %cond3A_227 {
        %dma_start3A = arith.constant 0 : i32
        %dma_start3A_284 = tpu.memref_slice %arg5[%add3A_71, %dma_start3A] : memref<262144x128xf32, #tpu.memory_space<hbm>> -> memref<64x128xf32, #tpu.memory_space<hbm>>
        %dma_start3A_285 = arith.constant 0 : i32
        %dma_start3A_286 = tpu.memref_slice %arg5[%add3A_71, %dma_start3A_285] : memref<262144x128xf32, #tpu.memory_space<hbm>> -> memref<64x128xf32, #tpu.memory_space<hbm>>
        tpu.enqueue_dma source(%arg12 : memref<64x128xf32, #tpu.memory_space<vmem>>) target(%dma_start3A_286 : memref<64x128xf32, #tpu.memory_space<hbm>>) target_semaphore(%arg16 : memref<!tpu.dma_semaphore, #tpu.memory_space<semaphore_mem>>)
      } else {
      }
      %eq3A_228 = arith.constant 0 : i32
      %eq3A_229 = arith.cmpi eq, %scan3A_65, %eq3A_228 : i32
      %and3A_230 = arith.andi %and3A_219, %eq3A_229 : i1
      %convert_element_type3A_231 = arith.extui %and3A_230 : i1 to i32
      %cond3A_232 = arith.constant 0 : i32
      %cond3A_233 = arith.cmpi ne, %convert_element_type3A_231, %cond3A_232 : i32
      scf.if %cond3A_233 {
        %while3A_284 = arith.constant 0 : i32
        %while3A_285 = arith.constant 0 : i32
        %while3A_286 = arith.subi %scan3A_63, %while3A_285 : i32
        %while3A_287 = arith.addi %while3A_285, %while3A_286 : i32
        %while3A_288 = arith.constant 1 : i32
        %while3A_289 = arith.divsi %while3A_286, %while3A_288 : i32
        %while3A_290 = arith.muli %while3A_289, %while3A_288 : i32
        %while3A_291 = arith.addi %while3A_285, %while3A_290 : i32
        %while3A_292 = arith.constant 1 : i32
        scf.for %while3A_306 = %while3A_285 to %while3A_291 step %while3A_292  : i32 {
          %dma_wait3A_307 = arith.constant 0 : i32
          %dma_wait3A_308 = arith.constant 0 : i32
          %dma_wait3A_309 = tpu.memref_slice %arg5[%dma_wait3A_307, %dma_wait3A_308] : memref<262144x128xf32, #tpu.memory_space<hbm>> -> memref<64x128xf32, #tpu.memory_space<hbm>>
          %dma_wait3A_310 = arith.constant 0 : i32
          %dma_wait3A_311 = arith.constant 0 : i32
          %dma_wait3A_312 = tpu.memref_slice %arg5[%dma_wait3A_310, %dma_wait3A_311] : memref<262144x128xf32, #tpu.memory_space<hbm>> -> memref<64x128xf32, #tpu.memory_space<hbm>>
          tpu.wait_dma2 semaphore(%arg15 : memref<!tpu.dma_semaphore, #tpu.memory_space<semaphore_mem>>) src(%arg11 : memref<64x128xf32, #tpu.memory_space<vmem>>) dst(%dma_wait3A_312 : memref<64x128xf32, #tpu.memory_space<hbm>>)
        }
        %while3A_293 = arith.constant 1 : i32
        scf.for %while3A_306 = %while3A_291 to %while3A_287 step %while3A_293  : i32 {
          %dma_wait3A_307 = arith.constant 0 : i32
          %dma_wait3A_308 = arith.constant 0 : i32
          %dma_wait3A_309 = tpu.memref_slice %arg5[%dma_wait3A_307, %dma_wait3A_308] : memref<262144x128xf32, #tpu.memory_space<hbm>> -> memref<64x128xf32, #tpu.memory_space<hbm>>
          %dma_wait3A_310 = arith.constant 0 : i32
          %dma_wait3A_311 = arith.constant 0 : i32
          %dma_wait3A_312 = tpu.memref_slice %arg5[%dma_wait3A_310, %dma_wait3A_311] : memref<262144x128xf32, #tpu.memory_space<hbm>> -> memref<64x128xf32, #tpu.memory_space<hbm>>
          tpu.wait_dma2 semaphore(%arg15 : memref<!tpu.dma_semaphore, #tpu.memory_space<semaphore_mem>>) src(%arg11 : memref<64x128xf32, #tpu.memory_space<vmem>>) dst(%dma_wait3A_312 : memref<64x128xf32, #tpu.memory_space<hbm>>)
        }
        %mul3A_294 = arith.constant 64 : i32
        %mul3A_295 = arith.muli %scan3A_60, %mul3A_294 : i32
        %dma_start3A = tpu.memref_slice %arg8[%mul3A_295] : memref<8192xi32, #tpu.memory_space<vmem>> -> memref<64xi32, #tpu.memory_space<vmem>>
        %dma_start3A_296 = arith.constant 0 : i32
        %dma_start3A_297 = arith.constant 0 : i32
        %dma_start3A_298 = tpu.memref_slice %arg10[%dma_start3A_296, %dma_start3A_297] : memref<65x128xf32, #tpu.memory_space<vmem_shared>> -> memref<65x128xf32, #tpu.memory_space<vmem_shared>>
        tpu.enqueue_indirect_dma source(%dma_start3A_298 : memref<65x128xf32, #tpu.memory_space<vmem_shared>>) target(%arg11 : memref<64x128xf32, #tpu.memory_space<vmem>>) offsets(%dma_start3A : memref<64xi32, #tpu.memory_space<vmem>>) semaphore(%arg17 : memref<!tpu.dma_semaphore, #tpu.memory_space<semaphore_mem>>)
        %dma_wait3A = tpu.memref_slice %arg8[%mul3A_295] : memref<8192xi32, #tpu.memory_space<vmem>> -> memref<64xi32, #tpu.memory_space<vmem>>
        %dma_wait3A_299 = arith.constant 0 : i32
        %dma_wait3A_300 = arith.constant 0 : i32
        %dma_wait3A_301 = tpu.memref_slice %arg10[%dma_wait3A_299, %dma_wait3A_300] : memref<65x128xf32, #tpu.memory_space<vmem_shared>> -> memref<65x128xf32, #tpu.memory_space<vmem_shared>>
        tpu.wait_indirect_dma semaphore(%arg17 : memref<!tpu.dma_semaphore, #tpu.memory_space<semaphore_mem>>) src(%dma_wait3A_301 : memref<65x128xf32, #tpu.memory_space<vmem_shared>>) dst(%arg11 : memref<64x128xf32, #tpu.memory_space<vmem>>)
        %dma_start3A_302 = arith.constant 0 : i32
        %dma_start3A_303 = tpu.memref_slice %arg5[%add3A_71, %dma_start3A_302] : memref<262144x128xf32, #tpu.memory_space<hbm>> -> memref<64x128xf32, #tpu.memory_space<hbm>>
        %dma_start3A_304 = arith.constant 0 : i32
        %dma_start3A_305 = tpu.memref_slice %arg5[%add3A_71, %dma_start3A_304] : memref<262144x128xf32, #tpu.memory_space<hbm>> -> memref<64x128xf32, #tpu.memory_space<hbm>>
        tpu.enqueue_dma source(%arg11 : memref<64x128xf32, #tpu.memory_space<vmem>>) target(%dma_start3A_305 : memref<64x128xf32, #tpu.memory_space<hbm>>) target_semaphore(%arg15 : memref<!tpu.dma_semaphore, #tpu.memory_space<semaphore_mem>>)
      } else {
      }
      %eq3A_234 = arith.constant 1 : i32
      %eq3A_235 = arith.cmpi eq, %scan3A_65, %eq3A_234 : i32
      %and3A_236 = arith.andi %and3A_219, %eq3A_235 : i1
      %convert_element_type3A_237 = arith.extui %and3A_236 : i1 to i32
      %cond3A_238 = arith.constant 0 : i32
      %cond3A_239 = arith.cmpi ne, %convert_element_type3A_237, %cond3A_238 : i32
      scf.if %cond3A_239 {
        %while3A_284 = arith.constant 0 : i32
        %while3A_285 = arith.constant 0 : i32
        %while3A_286 = arith.subi %scan3A_64, %while3A_285 : i32
        %while3A_287 = arith.addi %while3A_285, %while3A_286 : i32
        %while3A_288 = arith.constant 1 : i32
        %while3A_289 = arith.divsi %while3A_286, %while3A_288 : i32
        %while3A_290 = arith.muli %while3A_289, %while3A_288 : i32
        %while3A_291 = arith.addi %while3A_285, %while3A_290 : i32
        %while3A_292 = arith.constant 1 : i32
        scf.for %while3A_306 = %while3A_285 to %while3A_291 step %while3A_292  : i32 {
          %dma_wait3A_307 = arith.constant 0 : i32
          %dma_wait3A_308 = arith.constant 0 : i32
          %dma_wait3A_309 = tpu.memref_slice %arg5[%dma_wait3A_307, %dma_wait3A_308] : memref<262144x128xf32, #tpu.memory_space<hbm>> -> memref<64x128xf32, #tpu.memory_space<hbm>>
          %dma_wait3A_310 = arith.constant 0 : i32
          %dma_wait3A_311 = arith.constant 0 : i32
          %dma_wait3A_312 = tpu.memref_slice %arg5[%dma_wait3A_310, %dma_wait3A_311] : memref<262144x128xf32, #tpu.memory_space<hbm>> -> memref<64x128xf32, #tpu.memory_space<hbm>>
          tpu.wait_dma2 semaphore(%arg16 : memref<!tpu.dma_semaphore, #tpu.memory_space<semaphore_mem>>) src(%arg12 : memref<64x128xf32, #tpu.memory_space<vmem>>) dst(%dma_wait3A_312 : memref<64x128xf32, #tpu.memory_space<hbm>>)
        }
        %while3A_293 = arith.constant 1 : i32
        scf.for %while3A_306 = %while3A_291 to %while3A_287 step %while3A_293  : i32 {
          %dma_wait3A_307 = arith.constant 0 : i32
          %dma_wait3A_308 = arith.constant 0 : i32
          %dma_wait3A_309 = tpu.memref_slice %arg5[%dma_wait3A_307, %dma_wait3A_308] : memref<262144x128xf32, #tpu.memory_space<hbm>> -> memref<64x128xf32, #tpu.memory_space<hbm>>
          %dma_wait3A_310 = arith.constant 0 : i32
          %dma_wait3A_311 = arith.constant 0 : i32
          %dma_wait3A_312 = tpu.memref_slice %arg5[%dma_wait3A_310, %dma_wait3A_311] : memref<262144x128xf32, #tpu.memory_space<hbm>> -> memref<64x128xf32, #tpu.memory_space<hbm>>
          tpu.wait_dma2 semaphore(%arg16 : memref<!tpu.dma_semaphore, #tpu.memory_space<semaphore_mem>>) src(%arg12 : memref<64x128xf32, #tpu.memory_space<vmem>>) dst(%dma_wait3A_312 : memref<64x128xf32, #tpu.memory_space<hbm>>)
        }
        %mul3A_294 = arith.constant 64 : i32
        %mul3A_295 = arith.muli %scan3A_60, %mul3A_294 : i32
        %dma_start3A = tpu.memref_slice %arg8[%mul3A_295] : memref<8192xi32, #tpu.memory_space<vmem>> -> memref<64xi32, #tpu.memory_space<vmem>>
        %dma_start3A_296 = arith.constant 0 : i32
        %dma_start3A_297 = arith.constant 0 : i32
        %dma_start3A_298 = tpu.memref_slice %arg10[%dma_start3A_296, %dma_start3A_297] : memref<65x128xf32, #tpu.memory_space<vmem_shared>> -> memref<65x128xf32, #tpu.memory_space<vmem_shared>>
        tpu.enqueue_indirect_dma source(%dma_start3A_298 : memref<65x128xf32, #tpu.memory_space<vmem_shared>>) target(%arg12 : memref<64x128xf32, #tpu.memory_space<vmem>>) offsets(%dma_start3A : memref<64xi32, #tpu.memory_space<vmem>>) semaphore(%arg17 : memref<!tpu.dma_semaphore, #tpu.memory_space<semaphore_mem>>)
        %dma_wait3A = tpu.memref_slice %arg8[%mul3A_295] : memref<8192xi32, #tpu.memory_space<vmem>> -> memref<64xi32, #tpu.memory_space<vmem>>
        %dma_wait3A_299 = arith.constant 0 : i32
        %dma_wait3A_300 = arith.constant 0 : i32
        %dma_wait3A_301 = tpu.memref_slice %arg10[%dma_wait3A_299, %dma_wait3A_300] : memref<65x128xf32, #tpu.memory_space<vmem_shared>> -> memref<65x128xf32, #tpu.memory_space<vmem_shared>>
        tpu.wait_indirect_dma semaphore(%arg17 : memref<!tpu.dma_semaphore, #tpu.memory_space<semaphore_mem>>) src(%dma_wait3A_301 : memref<65x128xf32, #tpu.memory_space<vmem_shared>>) dst(%arg12 : memref<64x128xf32, #tpu.memory_space<vmem>>)
        %dma_start3A_302 = arith.constant 0 : i32
        %dma_start3A_303 = tpu.memref_slice %arg5[%add3A_71, %dma_start3A_302] : memref<262144x128xf32, #tpu.memory_space<hbm>> -> memref<64x128xf32, #tpu.memory_space<hbm>>
        %dma_start3A_304 = arith.constant 0 : i32
        %dma_start3A_305 = tpu.memref_slice %arg5[%add3A_71, %dma_start3A_304] : memref<262144x128xf32, #tpu.memory_space<hbm>> -> memref<64x128xf32, #tpu.memory_space<hbm>>
        tpu.enqueue_dma source(%arg12 : memref<64x128xf32, #tpu.memory_space<vmem>>) target(%dma_start3A_305 : memref<64x128xf32, #tpu.memory_space<hbm>>) target_semaphore(%arg16 : memref<!tpu.dma_semaphore, #tpu.memory_space<semaphore_mem>>)
      } else {
      }
      %eq3A_240 = arith.constant 0 : i32
      %eq3A_241 = arith.cmpi eq, %scan3A_68, %eq3A_240 : i32
      %and3A_242 = arith.andi %not3A_221, %eq3A_241 : i1
      %convert_element_type3A_243 = arith.extui %and3A_242 : i1 to i32
      %cond3A_244 = arith.constant 0 : i32
      %cond3A_245 = arith.cmpi ne, %convert_element_type3A_243, %cond3A_244 : i32
      scf.if %cond3A_245 {
        %gt3A = arith.constant 0 : i32
        %gt3A_284 = arith.cmpi sgt, %scan3A_66, %gt3A : i32
        %convert_element_type3A_285 = arith.extui %gt3A_284 : i1 to i32
        %cond3A_286 = arith.constant 0 : i32
        %cond3A_287 = arith.cmpi ne, %convert_element_type3A_285, %cond3A_286 : i32
        scf.if %cond3A_287 {
          %dma_wait3A_300 = arith.constant 0 : i32
          %dma_wait3A_301 = tpu.memref_slice %arg5[%add3A_71, %dma_wait3A_300] : memref<262144x128xf32, #tpu.memory_space<hbm>> -> memref<64x128xf32, #tpu.memory_space<hbm>>
          %dma_wait3A_302 = arith.constant 0 : i32
          %dma_wait3A_303 = tpu.memref_slice %arg5[%add3A_71, %dma_wait3A_302] : memref<262144x128xf32, #tpu.memory_space<hbm>> -> memref<64x128xf32, #tpu.memory_space<hbm>>
          tpu.wait_dma2 semaphore(%arg20 : memref<!tpu.dma_semaphore, #tpu.memory_space<semaphore_mem>>) src(%arg13 : memref<64x128xf32, #tpu.memory_space<vmem>>) dst(%dma_wait3A_303 : memref<64x128xf32, #tpu.memory_space<hbm>>)
        } else {
        }
        %mul3A_288 = arith.constant 64 : i32
        %mul3A_289 = arith.muli %scan3A_60, %mul3A_288 : i32
        %dma_start3A = tpu.memref_slice %arg8[%mul3A_289] : memref<8192xi32, #tpu.memory_space<vmem>> -> memref<64xi32, #tpu.memory_space<vmem>>
        %dma_start3A_290 = arith.constant 0 : i32
        %dma_start3A_291 = arith.constant 0 : i32
        %dma_start3A_292 = tpu.memref_slice %arg10[%dma_start3A_290, %dma_start3A_291] : memref<65x128xf32, #tpu.memory_space<vmem_shared>> -> memref<65x128xf32, #tpu.memory_space<vmem_shared>>
        tpu.enqueue_indirect_dma source(%dma_start3A_292 : memref<65x128xf32, #tpu.memory_space<vmem_shared>>) target(%arg13 : memref<64x128xf32, #tpu.memory_space<vmem>>) offsets(%dma_start3A : memref<64xi32, #tpu.memory_space<vmem>>) semaphore(%arg18 : memref<!tpu.dma_semaphore, #tpu.memory_space<semaphore_mem>>)
        %dma_wait3A = tpu.memref_slice %arg8[%mul3A_289] : memref<8192xi32, #tpu.memory_space<vmem>> -> memref<64xi32, #tpu.memory_space<vmem>>
        %dma_wait3A_293 = arith.constant 0 : i32
        %dma_wait3A_294 = arith.constant 0 : i32
        %dma_wait3A_295 = tpu.memref_slice %arg10[%dma_wait3A_293, %dma_wait3A_294] : memref<65x128xf32, #tpu.memory_space<vmem_shared>> -> memref<65x128xf32, #tpu.memory_space<vmem_shared>>
        tpu.wait_indirect_dma semaphore(%arg18 : memref<!tpu.dma_semaphore, #tpu.memory_space<semaphore_mem>>) src(%dma_wait3A_295 : memref<65x128xf32, #tpu.memory_space<vmem_shared>>) dst(%arg13 : memref<64x128xf32, #tpu.memory_space<vmem>>)
        %dma_start3A_296 = arith.constant 0 : i32
        %dma_start3A_297 = tpu.memref_slice %arg5[%add3A_71, %dma_start3A_296] : memref<262144x128xf32, #tpu.memory_space<hbm>> -> memref<64x128xf32, #tpu.memory_space<hbm>>
        %dma_start3A_298 = arith.constant 0 : i32
        %dma_start3A_299 = tpu.memref_slice %arg5[%add3A_71, %dma_start3A_298] : memref<262144x128xf32, #tpu.memory_space<hbm>> -> memref<64x128xf32, #tpu.memory_space<hbm>>
        tpu.enqueue_dma source(%arg13 : memref<64x128xf32, #tpu.memory_space<vmem>>) target(%dma_start3A_299 : memref<64x128xf32, #tpu.memory_space<hbm>>) target_semaphore(%arg20 : memref<!tpu.dma_semaphore, #tpu.memory_space<semaphore_mem>>)
      } else {
      }
      %eq3A_246 = arith.constant 1 : i32
      %eq3A_247 = arith.cmpi eq, %scan3A_68, %eq3A_246 : i32
      %and3A_248 = arith.andi %not3A_221, %eq3A_247 : i1
      %convert_element_type3A_249 = arith.extui %and3A_248 : i1 to i32
      %cond3A_250 = arith.constant 0 : i32
      %cond3A_251 = arith.cmpi ne, %convert_element_type3A_249, %cond3A_250 : i32
      scf.if %cond3A_251 {
        %gt3A = arith.constant 0 : i32
        %gt3A_284 = arith.cmpi sgt, %scan3A_67, %gt3A : i32
        %convert_element_type3A_285 = arith.extui %gt3A_284 : i1 to i32
        %cond3A_286 = arith.constant 0 : i32
        %cond3A_287 = arith.cmpi ne, %convert_element_type3A_285, %cond3A_286 : i32
        scf.if %cond3A_287 {
          %dma_wait3A_300 = arith.constant 0 : i32
          %dma_wait3A_301 = tpu.memref_slice %arg5[%add3A_71, %dma_wait3A_300] : memref<262144x128xf32, #tpu.memory_space<hbm>> -> memref<64x128xf32, #tpu.memory_space<hbm>>
          %dma_wait3A_302 = arith.constant 0 : i32
          %dma_wait3A_303 = tpu.memref_slice %arg5[%add3A_71, %dma_wait3A_302] : memref<262144x128xf32, #tpu.memory_space<hbm>> -> memref<64x128xf32, #tpu.memory_space<hbm>>
          tpu.wait_dma2 semaphore(%arg21 : memref<!tpu.dma_semaphore, #tpu.memory_space<semaphore_mem>>) src(%arg14 : memref<64x128xf32, #tpu.memory_space<vmem>>) dst(%dma_wait3A_303 : memref<64x128xf32, #tpu.memory_space<hbm>>)
        } else {
        }
        %mul3A_288 = arith.constant 64 : i32
        %mul3A_289 = arith.muli %scan3A_60, %mul3A_288 : i32
        %dma_start3A = tpu.memref_slice %arg8[%mul3A_289] : memref<8192xi32, #tpu.memory_space<vmem>> -> memref<64xi32, #tpu.memory_space<vmem>>
        %dma_start3A_290 = arith.constant 0 : i32
        %dma_start3A_291 = arith.constant 0 : i32
        %dma_start3A_292 = tpu.memref_slice %arg10[%dma_start3A_290, %dma_start3A_291] : memref<65x128xf32, #tpu.memory_space<vmem_shared>> -> memref<65x128xf32, #tpu.memory_space<vmem_shared>>
        tpu.enqueue_indirect_dma source(%dma_start3A_292 : memref<65x128xf32, #tpu.memory_space<vmem_shared>>) target(%arg14 : memref<64x128xf32, #tpu.memory_space<vmem>>) offsets(%dma_start3A : memref<64xi32, #tpu.memory_space<vmem>>) semaphore(%arg19 : memref<!tpu.dma_semaphore, #tpu.memory_space<semaphore_mem>>)
        %dma_wait3A = tpu.memref_slice %arg8[%mul3A_289] : memref<8192xi32, #tpu.memory_space<vmem>> -> memref<64xi32, #tpu.memory_space<vmem>>
        %dma_wait3A_293 = arith.constant 0 : i32
        %dma_wait3A_294 = arith.constant 0 : i32
        %dma_wait3A_295 = tpu.memref_slice %arg10[%dma_wait3A_293, %dma_wait3A_294] : memref<65x128xf32, #tpu.memory_space<vmem_shared>> -> memref<65x128xf32, #tpu.memory_space<vmem_shared>>
        tpu.wait_indirect_dma semaphore(%arg19 : memref<!tpu.dma_semaphore, #tpu.memory_space<semaphore_mem>>) src(%dma_wait3A_295 : memref<65x128xf32, #tpu.memory_space<vmem_shared>>) dst(%arg14 : memref<64x128xf32, #tpu.memory_space<vmem>>)
        %dma_start3A_296 = arith.constant 0 : i32
        %dma_start3A_297 = tpu.memref_slice %arg5[%add3A_71, %dma_start3A_296] : memref<262144x128xf32, #tpu.memory_space<hbm>> -> memref<64x128xf32, #tpu.memory_space<hbm>>
        %dma_start3A_298 = arith.constant 0 : i32
        %dma_start3A_299 = tpu.memref_slice %arg5[%add3A_71, %dma_start3A_298] : memref<262144x128xf32, #tpu.memory_space<hbm>> -> memref<64x128xf32, #tpu.memory_space<hbm>>
        tpu.enqueue_dma source(%arg14 : memref<64x128xf32, #tpu.memory_space<vmem>>) target(%dma_start3A_299 : memref<64x128xf32, #tpu.memory_space<hbm>>) target_semaphore(%arg21 : memref<!tpu.dma_semaphore, #tpu.memory_space<semaphore_mem>>)
      } else {
      }
      %eq3A_252 = arith.constant 0 : i32
      %eq3A_253 = arith.cmpi eq, %scan3A_65, %eq3A_252 : i32
      %and3A_254 = arith.andi %and3A_219, %eq3A_253 : i1
      %eq3A_255 = arith.constant 1 : i32
      %eq3A_256 = arith.cmpi eq, %scan3A_65, %eq3A_255 : i32
      %and3A_257 = arith.andi %and3A_219, %eq3A_256 : i1
      %select_n3A_258 = arith.select %and3A_254, %reduce_min3A_199, %scan3A_61 : i32
      %select_n3A_259 = arith.select %and3A_257, %reduce_min3A_199, %scan3A_62 : i32
      %convert_element_type3A_260 = arith.extui %and3A_209 : i1 to i32
      %add3A_261 = arith.addi %scan3A_63, %convert_element_type3A_260 : i32
      %jit3A_262 = arith.constant 1 : i32
      %select_n3A_263 = arith.select %and3A_254, %jit3A_262, %add3A_261 : i32
      %convert_element_type3A_264 = arith.extui %and3A_213 : i1 to i32
      %add3A_265 = arith.addi %scan3A_64, %convert_element_type3A_264 : i32
      %jit3A_266 = arith.constant 1 : i32
      %select_n3A_267 = arith.select %and3A_257, %jit3A_266, %add3A_265 : i32
      %sub3A_268 = arith.constant 1 : i32
      %sub3A_269 = arith.subi %sub3A_268, %scan3A_65 : i32
      %select_n3A_270 = arith.select %and3A_219, %sub3A_269, %scan3A_65 : i32
      %eq3A_271 = arith.constant 0 : i32
      %eq3A_272 = arith.cmpi eq, %scan3A_68, %eq3A_271 : i32
      %and3A_273 = arith.andi %not3A_221, %eq3A_272 : i1
      %jit3A_274 = arith.constant 1 : i32
      %select_n3A_275 = arith.select %and3A_273, %jit3A_274, %scan3A_66 : i32
      %eq3A_276 = arith.constant 1 : i32
      %eq3A_277 = arith.cmpi eq, %scan3A_68, %eq3A_276 : i32
      %and3A_278 = arith.andi %not3A_221, %eq3A_277 : i1
      %jit3A_279 = arith.constant 1 : i32
      %select_n3A_280 = arith.select %and3A_278, %jit3A_279, %scan3A_67 : i32
      %sub3A_281 = arith.constant 1 : i32
      %sub3A_282 = arith.subi %sub3A_281, %scan3A_68 : i32
      %select_n3A_283 = arith.select %not3A_221, %sub3A_282, %scan3A_68 : i32
      scf.yield %select_n3A_258, %select_n3A_259, %select_n3A_263, %select_n3A_267, %select_n3A_270, %select_n3A_275, %select_n3A_280, %select_n3A_283 : i32, i32, i32, i32, i32, i32, i32, i32
    }
    %scan3A_20 = arith.constant 128 : i32
    %while3A = arith.constant 0 : i32
    %while3A_21 = arith.constant 0 : i32
    %while3A_22 = arith.subi %scan3A_19#2, %while3A_21 : i32
    %while3A_23 = arith.addi %while3A_21, %while3A_22 : i32
    %while3A_24 = arith.constant 1 : i32
    %while3A_25 = arith.divsi %while3A_22, %while3A_24 : i32
    %while3A_26 = arith.muli %while3A_25, %while3A_24 : i32
    %while3A_27 = arith.addi %while3A_21, %while3A_26 : i32
    %while3A_28 = arith.constant 1 : i32
    scf.for %while3A_60 = %while3A_21 to %while3A_27 step %while3A_28  : i32 {
      %dma_wait3A = arith.constant 0 : i32
      %dma_wait3A_61 = arith.constant 0 : i32
      %dma_wait3A_62 = tpu.memref_slice %arg5[%dma_wait3A, %dma_wait3A_61] : memref<262144x128xf32, #tpu.memory_space<hbm>> -> memref<64x128xf32, #tpu.memory_space<hbm>>
      %dma_wait3A_63 = arith.constant 0 : i32
      %dma_wait3A_64 = arith.constant 0 : i32
      %dma_wait3A_65 = tpu.memref_slice %arg5[%dma_wait3A_63, %dma_wait3A_64] : memref<262144x128xf32, #tpu.memory_space<hbm>> -> memref<64x128xf32, #tpu.memory_space<hbm>>
      tpu.wait_dma2 semaphore(%arg15 : memref<!tpu.dma_semaphore, #tpu.memory_space<semaphore_mem>>) src(%arg11 : memref<64x128xf32, #tpu.memory_space<vmem>>) dst(%dma_wait3A_65 : memref<64x128xf32, #tpu.memory_space<hbm>>)
    }
    %while3A_29 = arith.constant 1 : i32
    scf.for %while3A_60 = %while3A_27 to %while3A_23 step %while3A_29  : i32 {
      %dma_wait3A = arith.constant 0 : i32
      %dma_wait3A_61 = arith.constant 0 : i32
      %dma_wait3A_62 = tpu.memref_slice %arg5[%dma_wait3A, %dma_wait3A_61] : memref<262144x128xf32, #tpu.memory_space<hbm>> -> memref<64x128xf32, #tpu.memory_space<hbm>>
      %dma_wait3A_63 = arith.constant 0 : i32
      %dma_wait3A_64 = arith.constant 0 : i32
      %dma_wait3A_65 = tpu.memref_slice %arg5[%dma_wait3A_63, %dma_wait3A_64] : memref<262144x128xf32, #tpu.memory_space<hbm>> -> memref<64x128xf32, #tpu.memory_space<hbm>>
      tpu.wait_dma2 semaphore(%arg15 : memref<!tpu.dma_semaphore, #tpu.memory_space<semaphore_mem>>) src(%arg11 : memref<64x128xf32, #tpu.memory_space<vmem>>) dst(%dma_wait3A_65 : memref<64x128xf32, #tpu.memory_space<hbm>>)
    }
    %while3A_30 = arith.constant 0 : i32
    %while3A_31 = arith.constant 0 : i32
    %while3A_32 = arith.subi %scan3A_19#3, %while3A_31 : i32
    %while3A_33 = arith.addi %while3A_31, %while3A_32 : i32
    %while3A_34 = arith.constant 1 : i32
    %while3A_35 = arith.divsi %while3A_32, %while3A_34 : i32
    %while3A_36 = arith.muli %while3A_35, %while3A_34 : i32
    %while3A_37 = arith.addi %while3A_31, %while3A_36 : i32
    %while3A_38 = arith.constant 1 : i32
    scf.for %while3A_60 = %while3A_31 to %while3A_37 step %while3A_38  : i32 {
      %dma_wait3A = arith.constant 0 : i32
      %dma_wait3A_61 = arith.constant 0 : i32
      %dma_wait3A_62 = tpu.memref_slice %arg5[%dma_wait3A, %dma_wait3A_61] : memref<262144x128xf32, #tpu.memory_space<hbm>> -> memref<64x128xf32, #tpu.memory_space<hbm>>
      %dma_wait3A_63 = arith.constant 0 : i32
      %dma_wait3A_64 = arith.constant 0 : i32
      %dma_wait3A_65 = tpu.memref_slice %arg5[%dma_wait3A_63, %dma_wait3A_64] : memref<262144x128xf32, #tpu.memory_space<hbm>> -> memref<64x128xf32, #tpu.memory_space<hbm>>
      tpu.wait_dma2 semaphore(%arg16 : memref<!tpu.dma_semaphore, #tpu.memory_space<semaphore_mem>>) src(%arg12 : memref<64x128xf32, #tpu.memory_space<vmem>>) dst(%dma_wait3A_65 : memref<64x128xf32, #tpu.memory_space<hbm>>)
    }
    %while3A_39 = arith.constant 1 : i32
    scf.for %while3A_60 = %while3A_37 to %while3A_33 step %while3A_39  : i32 {
      %dma_wait3A = arith.constant 0 : i32
      %dma_wait3A_61 = arith.constant 0 : i32
      %dma_wait3A_62 = tpu.memref_slice %arg5[%dma_wait3A, %dma_wait3A_61] : memref<262144x128xf32, #tpu.memory_space<hbm>> -> memref<64x128xf32, #tpu.memory_space<hbm>>
      %dma_wait3A_63 = arith.constant 0 : i32
      %dma_wait3A_64 = arith.constant 0 : i32
      %dma_wait3A_65 = tpu.memref_slice %arg5[%dma_wait3A_63, %dma_wait3A_64] : memref<262144x128xf32, #tpu.memory_space<hbm>> -> memref<64x128xf32, #tpu.memory_space<hbm>>
      tpu.wait_dma2 semaphore(%arg16 : memref<!tpu.dma_semaphore, #tpu.memory_space<semaphore_mem>>) src(%arg12 : memref<64x128xf32, #tpu.memory_space<vmem>>) dst(%dma_wait3A_65 : memref<64x128xf32, #tpu.memory_space<hbm>>)
    }
    %while3A_40 = arith.constant 0 : i32
    %while3A_41 = arith.constant 0 : i32
    %while3A_42 = arith.subi %scan3A_19#5, %while3A_41 : i32
    %while3A_43 = arith.addi %while3A_41, %while3A_42 : i32
    %while3A_44 = arith.constant 1 : i32
    %while3A_45 = arith.divsi %while3A_42, %while3A_44 : i32
    %while3A_46 = arith.muli %while3A_45, %while3A_44 : i32
    %while3A_47 = arith.addi %while3A_41, %while3A_46 : i32
    %while3A_48 = arith.constant 1 : i32
    scf.for %while3A_60 = %while3A_41 to %while3A_47 step %while3A_48  : i32 {
      %dma_wait3A = arith.constant 0 : i32
      %dma_wait3A_61 = arith.constant 0 : i32
      %dma_wait3A_62 = tpu.memref_slice %arg5[%dma_wait3A, %dma_wait3A_61] : memref<262144x128xf32, #tpu.memory_space<hbm>> -> memref<64x128xf32, #tpu.memory_space<hbm>>
      %dma_wait3A_63 = arith.constant 0 : i32
      %dma_wait3A_64 = arith.constant 0 : i32
      %dma_wait3A_65 = tpu.memref_slice %arg5[%dma_wait3A_63, %dma_wait3A_64] : memref<262144x128xf32, #tpu.memory_space<hbm>> -> memref<64x128xf32, #tpu.memory_space<hbm>>
      tpu.wait_dma2 semaphore(%arg20 : memref<!tpu.dma_semaphore, #tpu.memory_space<semaphore_mem>>) src(%arg13 : memref<64x128xf32, #tpu.memory_space<vmem>>) dst(%dma_wait3A_65 : memref<64x128xf32, #tpu.memory_space<hbm>>)
    }
    %while3A_49 = arith.constant 1 : i32
    scf.for %while3A_60 = %while3A_47 to %while3A_43 step %while3A_49  : i32 {
      %dma_wait3A = arith.constant 0 : i32
      %dma_wait3A_61 = arith.constant 0 : i32
      %dma_wait3A_62 = tpu.memref_slice %arg5[%dma_wait3A, %dma_wait3A_61] : memref<262144x128xf32, #tpu.memory_space<hbm>> -> memref<64x128xf32, #tpu.memory_space<hbm>>
      %dma_wait3A_63 = arith.constant 0 : i32
      %dma_wait3A_64 = arith.constant 0 : i32
      %dma_wait3A_65 = tpu.memref_slice %arg5[%dma_wait3A_63, %dma_wait3A_64] : memref<262144x128xf32, #tpu.memory_space<hbm>> -> memref<64x128xf32, #tpu.memory_space<hbm>>
      tpu.wait_dma2 semaphore(%arg20 : memref<!tpu.dma_semaphore, #tpu.memory_space<semaphore_mem>>) src(%arg13 : memref<64x128xf32, #tpu.memory_space<vmem>>) dst(%dma_wait3A_65 : memref<64x128xf32, #tpu.memory_space<hbm>>)
    }
    %while3A_50 = arith.constant 0 : i32
    %while3A_51 = arith.constant 0 : i32
    %while3A_52 = arith.subi %scan3A_19#6, %while3A_51 : i32
    %while3A_53 = arith.addi %while3A_51, %while3A_52 : i32
    %while3A_54 = arith.constant 1 : i32
    %while3A_55 = arith.divsi %while3A_52, %while3A_54 : i32
    %while3A_56 = arith.muli %while3A_55, %while3A_54 : i32
    %while3A_57 = arith.addi %while3A_51, %while3A_56 : i32
    %while3A_58 = arith.constant 1 : i32
    scf.for %while3A_60 = %while3A_51 to %while3A_57 step %while3A_58  : i32 {
      %dma_wait3A = arith.constant 0 : i32
      %dma_wait3A_61 = arith.constant 0 : i32
      %dma_wait3A_62 = tpu.memref_slice %arg5[%dma_wait3A, %dma_wait3A_61] : memref<262144x128xf32, #tpu.memory_space<hbm>> -> memref<64x128xf32, #tpu.memory_space<hbm>>
      %dma_wait3A_63 = arith.constant 0 : i32
      %dma_wait3A_64 = arith.constant 0 : i32
      %dma_wait3A_65 = tpu.memref_slice %arg5[%dma_wait3A_63, %dma_wait3A_64] : memref<262144x128xf32, #tpu.memory_space<hbm>> -> memref<64x128xf32, #tpu.memory_space<hbm>>
      tpu.wait_dma2 semaphore(%arg21 : memref<!tpu.dma_semaphore, #tpu.memory_space<semaphore_mem>>) src(%arg14 : memref<64x128xf32, #tpu.memory_space<vmem>>) dst(%dma_wait3A_65 : memref<64x128xf32, #tpu.memory_space<hbm>>)
    }
    %while3A_59 = arith.constant 1 : i32
    scf.for %while3A_60 = %while3A_57 to %while3A_53 step %while3A_59  : i32 {
      %dma_wait3A = arith.constant 0 : i32
      %dma_wait3A_61 = arith.constant 0 : i32
      %dma_wait3A_62 = tpu.memref_slice %arg5[%dma_wait3A, %dma_wait3A_61] : memref<262144x128xf32, #tpu.memory_space<hbm>> -> memref<64x128xf32, #tpu.memory_space<hbm>>
      %dma_wait3A_63 = arith.constant 0 : i32
      %dma_wait3A_64 = arith.constant 0 : i32
      %dma_wait3A_65 = tpu.memref_slice %arg5[%dma_wait3A_63, %dma_wait3A_64] : memref<262144x128xf32, #tpu.memory_space<hbm>> -> memref<64x128xf32, #tpu.memory_space<hbm>>
      tpu.wait_dma2 semaphore(%arg21 : memref<!tpu.dma_semaphore, #tpu.memory_space<semaphore_mem>>) src(%arg14 : memref<64x128xf32, #tpu.memory_space<vmem>>) dst(%dma_wait3A_65 : memref<64x128xf32, #tpu.memory_space<hbm>>)
    }
    return
  }
}

</mosaic_0001>

<sc_bundles>
// kernel: _seqsep.3.cloned.1.call-start
scs
__scs_entry_jumppad:
0x0: {  	(pc) =	sbr.rel $0x88, $3  }
0x1: {  	(tag) =	ssettag $0x0;
	lr =	simm.s32 $0x1  }
0x2: {  	[smem:$0x3F9E] =	sst lr;
	_ =	strace $0xD0000000  }
0x3: {  	_ = 	snop  }
0x4: {  	_ = 	snop  }
0x5: {  	_ = 	snop  }
0x6: {  	_ = 	snop  }
0x7: {  	_ = 	snop  }
__scs_overlays_trampoline_lowered:
0x8: {  	[smem:$0x3FAD] =	sst s0  }
0x9: {  	[smem:$0x3FAE] =	sst s1  }
0xa: {  	[smem:$0x3FAF] =	sst s2  }
0xb: {  	[smem:$0x3FB0] =	sst s3  }
0xc: {  	[smem:$0x3FB1] =	sst s4  }
0xd: {  	[smem:$0x3FB2] =	sst s5  }
0xe: {  	[smem:$0x3FB3] =	sst s6  }
0xf: {  	[smem:$0x3FB4] =	sst s7  }
0x10: {  	[smem:$0x3FB5] =	sst s8  }
0x11: {  	[smem:$0x3FB6] =	sst s9;
	s0 =	simm.s32 @!p0 $0x0  }
0x12: {  	s1 =	sld [smem:$0x3F9C];
	s0 =	simm.s32 @p0 $0x1  }
0x13: {  	[smem:$0x3FB7] =	sst s0;
	s0 =	simm.s32 @!p1 $0x0  }
0x14: {  	s2 =	sld [smem:$0x3F9B];
	s0 =	simm.s32 @p1 $0x1  }
0x15: {  	[smem:$0x3FB8] =	sst s0;
	s0 =	simm.s32 @!p2 $0x0  }
0x16: {  	s3 =	sld [smem:$0x3FDB];
	s0 =	simm.s32 @p2 $0x1  }
0x17: {  	s4 =	simm.s32 $0x1BF5;
	[smem:$0x3FBA] =	sst s0  }
0x18: {  	s0 =	sld [smem:$0x3F9D];
	_ =	swait.ge [sflag:s4], $0x0  }
0x19: {  	s7 =	sld [smem:$0x3F9E]  }
0x1a: {  	s8 =	sadd.s32 $0xFFFFE003, lr  }
0x1b: {  	s9 =	sadd.s32 $0xFFFFFEF7, lr;
	s5 =	simm.s32 $0xFFFFFFFF;
	p2 =	slt.u32 s8, $0xFFFFF086  }
0x1c: {  	p1 =	slt.u32 s9, $0xF7A;
	s5 =	simm.s32 @!p2 $0x0  }
0x1d: {  	s5 =	simm.s32 @p1 $0x1;
	p0 =	seq.s32 s7, s2  }
0x1e: {  	s7 =	smul.u32 @!p0 $0xF7A, s2;
	p2 =	seq.s32 @!p0 s5, $0x0  }
0x1f: {  	s9 =	smul.u32 $0xF7A, s1;
	s8 =	simm.s32 @!p0 $0x1BF5;
	p2 =	por !p2, p0  }
0x20: {  	[sflag:s8] =	ssyncset.s32 @!p0 $0xFFFFF086;
	s6 =	sadd.s32 @!p0 s3, s7;
	s7 =	simm.s32 @!p0 $0x108  }
0x21: {  	s3 =	sadd.s32 s3, s9;
	s6 =	sadd.s32 @!p0 $0x88, s6;
	s7 =	simm.s32 @p2 $0x1082  }
0x22: {  	[simem:s7], [sflag:s8] =	dma.local @!p0 [hbm:s6], $0xF7A  }
0x23: {  	s9 =	sor.u32 $0xD0000000, s2;
	s6 =	simm.s32 $0x108;
	_ =	swait.ge @!p0 [sflag:s8], $0x0  }
0x24: {  	s3 =	sadd.s32 $0x88, s3;
	s6 =	simm.s32 @!p1 $0x1082;
	[sflag:s4] =	ssyncset.s32 $0xFFFFF086  }
0x25: {  	[simem:s6], [sflag:s4] =	dma.local [hbm:s3], $0xF7A  }
0x26: {  	[smem:$0x3F9E] =	sst s1;
	(tag) =	ssettag s2;
	_ =	strace s9  }
0x27: {  	s1 =	sld [smem:$0x3FAE]  }
0x28: {  	s2 =	sld [smem:$0x3FAF]  }
0x29: {  	s4 =	sld [smem:$0x3FB1]  }
0x2a: {  	p0 =	seq.s32 s5, $0x0;
	s5 =	sld [smem:$0x3FB2]  }
0x2b: {  	s6 =	sld [smem:$0x3FB3]  }
0x2c: {  	s7 =	sld [smem:$0x3FB4]  }
0x2d: {  	s3 =	simm.s32 $0x108;
	s8 =	sld [smem:$0x3FB5]  }
0x2e: {  	s3 =	simm.s32 @!p0 $0x1082;
	s9 =	sld [smem:$0x3FB6]  }
0x2f: {  	lr =	sadd.s32 s0, s3;
	s0 =	sld [smem:$0x3FAD]  }
0x30: {  	s3 =	sld [smem:$0x3FB0]  }
0x31: {  	[smem:$0x3FB9] =	sst s10  }
0x32: {  	s10 =	sld [smem:$0x3FB7];
	_ =	sdelay $0x3  }
0x33: {  	p0 =	seq.s32 s10, $0x1;
	s10 =	sld [smem:$0x3FB9];
	_ =	sdelay $0x3  }
0x34: {  	[smem:$0x3FB9] =	sst s10  }
0x35: {  	s10 =	sld [smem:$0x3FB8];
	_ =	sdelay $0x3  }
0x36: {  	p1 =	seq.s32 s10, $0x1;
	s10 =	sld [smem:$0x3FB9];
	_ =	sdelay $0x3  }
0x37: {  	[smem:$0x3FB9] =	sst s10  }
0x38: {  	s10 =	sld [smem:$0x3FBA]  }
0x39: {  	_ = 	snop;
	(pc) =	sbr.ind lr, $3  }
0x3a: {  	_ = 	snop  }
0x3b: {  	_ = 	snop  }
0x3c: {  	p2 =	seq.s32 s10, $0x1;
	s10 =	sld [smem:$0x3FB9]  }
0x3d: {  	_ =	shalt  }
0x3e: {  	_ =	shalt  }
0x3f: {  	_ =	shalt  }
0x40: {  	_ =	shalt  }
0x41: {  	_ =	shalt  }
0x42: {  	_ =	shalt  }
0x43: {  	_ =	shalt  }
0x44: {  	_ =	shalt  }
0x45: {  	_ =	shalt  }
0x46: {  	_ =	shalt  }
0x47: {  	_ =	shalt  }
0x48: {  	_ =	shalt  }
0x49: {  	_ =	shalt  }
0x4a: {  	_ =	shalt  }
0x4b: {  	_ =	shalt  }
0x4c: {  	_ =	shalt  }
0x4d: {  	_ =	shalt  }
0x4e: {  	_ =	shalt  }
0x4f: {  	_ =	shalt  }
0x50: {  	_ =	shalt  }
0x51: {  	_ =	shalt  }
0x52: {  	_ =	shalt  }
0x53: {  	_ =	shalt  }
0x54: {  	_ =	shalt  }
0x55: {  	_ =	shalt  }
0x56: {  	_ =	shalt  }
0x57: {  	_ =	shalt  }
0x58: {  	_ =	shalt  }
0x59: {  	_ =	shalt  }
0x5a: {  	_ =	shalt  }
0x5b: {  	_ =	shalt  }
0x5c: {  	_ =	shalt  }
0x5d: {  	_ =	shalt  }
0x5e: {  	_ =	shalt  }
0x5f: {  	_ =	shalt  }
0x60: {  	_ =	shalt  }
0x61: {  	_ =	shalt  }
0x62: {  	_ =	shalt  }
0x63: {  	_ =	shalt  }
0x64: {  	_ =	shalt  }
0x65: {  	_ =	shalt  }
0x66: {  	_ =	shalt  }
0x67: {  	_ =	shalt  }
0x68: {  	_ =	shalt  }
0x69: {  	_ =	shalt  }
0x6a: {  	_ =	shalt  }
0x6b: {  	_ =	shalt  }
0x6c: {  	_ =	shalt  }
0x6d: {  	_ =	shalt  }
0x6e: {  	_ =	shalt  }
0x6f: {  	_ =	shalt  }
0x70: {  	_ =	shalt  }
0x71: {  	_ =	shalt  }
0x72: {  	_ =	shalt  }
0x73: {  	_ =	shalt  }
0x74: {  	_ =	shalt  }
0x75: {  	_ =	shalt  }
0x76: {  	_ =	shalt  }
0x77: {  	_ =	shalt  }
0x78: {  	_ =	shalt  }
0x79: {  	_ =	shalt  }
0x7a: {  	_ =	shalt  }
0x7b: {  	_ =	shalt  }
0x7c: {  	_ =	shalt  }
0x7d: {  	_ =	shalt  }
0x7e: {  	_ =	shalt  }
0x7f: {  	_ =	shalt  }
0x80: {  	_ =	shalt  }
0x81: {  	_ =	shalt  }
0x82: {  	_ =	shalt  }
0x83: {  	_ =	shalt  }
0x84: {  	_ =	shalt  }
0x85: {  	_ =	shalt  }
0x86: {  	_ =	shalt  }
0x87: {  	_ =	shalt  }
.Lfunc_end0:
.L_simem_size_0:
called_computation_lowered:
.L_overlay_start_0:
0x88: {  	s2 =	sld [smem:$0x3FD9]  }
0x89: {  	s3 =	sld [smem:$0x3FFE];
	_ =	sdelay $0x1  }
0x8a: {  	s1 =	srdreg.scid  }
0x8b: {  	s0 =	sand.u32 $0x1, s1  }
0x8c: {  	s18 =	sshll.u32 s0, $0xA;
	s2 =	sadd.s32 s3, s2  }
0x8d: {  	s2 =	sadd.s32 s2, s18  }
0x8e: {  	[smem:$0x3FC5] =	sst s2  }
0x8f: {  	_ = 	snop  }
0x90: {  	s2 =	sld [smem:$0x3FC9]  }
0x91: {  	s19 =	sld [smem:$0x3FC8]  }
0x92: {  	s4 =	sld [smem:$0x3FC7]  }
0x93: {  	s5 =	sld [smem:$0x3FD0];
	(tm) =	ssettm $0x1  }
0x94: {  	s6 =	sld [smem:$0x3FFB];
	_ =	sdelay $0x3  }
0x95: {  	_ =	strace s6  }
0x96: {  	s6 =	sld [smem:$0x3FFC];
	_ =	sdelay $0x3  }
0x97: {  	_ =	strace s6  }
0x98: {  	s6 =	sld [smem:$0x3FFD];
	_ =	sdelay $0x3  }
0x99: {  	_ =	strace s6  }
0x9a: {  	_ =	strace $0x8FFFFFFF  }
0x9b: {  	s20 =	sld [smem:$0x3FDB];
	_ =	sdelay $0x1  }
0x9c: {  	s7 =	simm.s32 $_scs_section_size  }
0x9d: {  	s8 =	simm.s32 $_size__tile_overlayer_lowered;
	s9 =	simm.s32 $_tile_overlayer_lowered  }
0x9e: {  	s23 =	simm.s32 $0x1BFF;
	s22 =	sshll.u32 s9, $0x1;
	s6 =	sadd.s32 s7, s20  }
0x9f: {  	s10 =	simm.s32 $0x0;
	s21 =	sshll.u32 s8, $0x1;
	s8 =	sadd.s32 s22, s6  }
0xa0: {  	[timem:s10], [sflag:s23] =	dma.local [hbm:s8], s21  }
0xa1: {  	_ =	swait.ge [sflag:s23], s21  }
0xa2: {  	s7 =	ssub.s32 $0x0, s21;
	[sflag:s23] =	ssyncset.done $0x0  }
0xa3: {  	[sflag:s23] =	ssyncadd.s32 s7;
	_ =	sdelay $0x1  }
0xa4: {  	s24 =	simm.s32 $0x1B8B  }
0xa5: {  	_ =	swait.ge [sflag:s24], $0x1  }
0xa6: {  	[sflag:s24] =	ssyncset.done $0x0  }
0xa7: {  	s25 =	simm.s32 $0x1B8E;
	[sflag:s24] =	ssyncadd.s32 $0xFFFFFFFF  }
0xa8: {  	s26 =	simm.s32 $execute0_lowered;
	[smem:$0x3FD2] =	sst s25  }
0xa9: {  	s7 =	sshll.u32 s26, $0x1;
	_ =	strace $0x80000046;
	[dreg:$0x1] =	wrdreg $0xFFFFFFFF  }
0xaa: {  	s28 =	simm.s32 $_size_execute0_lowered;
	s6 =	sadd.s32 s6, s7;
	[dreg:$0x0] =	wrdreg $0x0  }
0xab: {  	s7 =	sshll.u32 s28, $0x1;
	[dreg:$0x2] =	wrdreg s6  }
0xac: {  	[dreg:$0x3] =	wrdreg s7  }
0xad: {  	[dreg:$0x4] =	wrdreg $0xC0  }
0xae: {  	_ =	task [dreg:s10], $0x5FFFF  }
0xaf: {  	[dreg:$0x1] =	wrdreg $0xFFFFFFFF  }
0xb0: {  	[dreg:$0x0] =	wrdreg $0x60  }
0xb1: {  	[dreg:$0x2] =	wrdreg s2  }
0xb2: {  	[dreg:$0x3] =	wrdreg s19  }
0xb3: {  	[dreg:$0x4] =	wrdreg s4  }
0xb4: {  	[dreg:$0x5] =	wrdreg s5  }
0xb5: {  	[dreg:$0x6] =	wrdreg $0x46800  }
0xb6: {  	[dreg:$0x7] =	wrdreg $0x9  }
0xb7: {  	_ =	task.clear_ibuf [dreg:s10], $0x8FFFF;
	_ =	strace $0x90000046  }
0xb8: {  	s29 =	simm.s32 $0x9;
	_ =	strace $0x80000048  }
0xb9: {  	_ =	swait.ge [sflag:s29], $0x1  }
0xba: {  	[sflag:s29] =	ssyncadd.s32 $0xFFFFFFFF  }
0xbb: {  	_ =	strace $0x90000048  }
0xbc: {  	_ =	sfence  }
0xbd: {  	s30 =	sld [smem:$0x0];
	_ =	sdelay $0x2  }
0xbe: {  	s31 =	sshll.u32 s1, $0xD;
	s1 =	sshrl.u32 s1, $0x2  }
0xbf: {  	s3 =	sand.u32 $0x4000, s31;
	s1 =	sadd.s32 s1, s30  }
0xc0: {  	s0 =	sor.u32 s3, s0;
	s1 =	sshll.u32 s1, $0x11  }
0xc1: {  	s0 =	sor.u32 s1, s0  }
0xc2: {  	s0 =	sadd.s32 $0x8F2B, s0  }
0xc3: {  	[sflag:s0] =	ssyncadd.remote.s32 $0x1  }
0xc4: {  	_ =	sfence.sel $0xFFFF  }
0xc5: {  	[dreg:$0x0] =	wrdreg $0xFFFFFFFF;
	(pc) =	sbr.abs _section_cstart, $3  }
0xc6: {  	[dreg:$0x1] =	wrdreg $0xFFFFFFFF  }
0xc7: {  	_ =	task.clear_ibuf [dreg:s10], $0x2FFFF;
	_ =	strace $0x9FFFFFFF  }
0xc8: {  	(tm) =	ssettm $0x7FFFFFFF  }
0xc9: {  	_ =	shalt  }
tec
execute0_lowered:
.L_overlay_start_1:
0x0: {  	(tag) =	ssettag $0x1  }
0x1: {  	s0 =	rddreg [dreg:$0x0]  }
0x2: {  	s3 =	rddreg [dreg:$0x3]  }
0x3: {  	s4 =	rddreg [dreg:$0x4]  }
0x4: {  	s1 =	srdreg.scid;
	s2 =	stileid.u32  }
0x5: {  	s5 =	simm.s32 $0x0;
	s9 =	simm.s32 $0x8;
	s11 =	simm.s32 $0x1  }
0x6: {  	s12 =	simm.s32 $0x40;
	s13 =	simm.s32 $0x4888;
	s14 =	simm.s32 $0x3  }
0x7: {  	s15 =	simm.s32 $0x8888;
	s16 =	simm.s32 $0x4;
	s17 =	simm.s32 $0x2  }
0x8: {  	s1 =	sand.u32 $0x1, s1;
	s7 =	sshll.u32 s2, $0x1;
	[smem:$0x7FF] =	sst s5  }
0x9: {  	p0 =	sne.s32 s2, $0x0;
	s6 =	ssub.s32 $0x2, s1;
	s1 =	sor.u32 s1, s7  }
.Ltmp0:
0xa: {  	s8 =	sshrl.u32 s6, $0x1;
	s7 =	sshll.u32 s1, $0x1;
	(pc) =	sbr.rel .LBB2_1-.Ltmp0, $4  }
0xb: {  	_ =	strace $0x80000047;
	s8 =	ssub.s32 s6, s8;
	s0 =	sadd.s32 s0, s7  }
0xc: {  	[dreg:$0x6] =	wrdreg s0;
	s31 =	smax.u32 s8, $0x1;
	s0 =	simm.s32 @!p0 $0x0  }
0xd: {  	s18 =	simm.s32 $0x6888;
	[dreg:$0x7] =	wrdreg s31;
	s0 =	simm.s32 @p0 $0x1  }
0xe: {  	v0 =	vlaneseq.u32;
	s19 =	simm.s32 $0x0;
	s6 =	sshll.u32 s1, $0xD;
	[smem:$0x7FD] =	sst s0  }
.LBB2_27:
0xf: {  	[sflag:s17] =	ssyncadd.s32 $0xFFFFE000  }
.LBB2_20:
0x10: {  	p0 =	seq.s32 s21, $0x0  }
0x11: {  	s0 =	simm.s32 @!p0 $0x6  }
0x12: {  	_ =	swait.ge @!p0 [sflag:s0], $0x2000  }
0x13: {  	[sflag:s0] =	ssyncset.done @!p0 $0x0  }
0x14: {  	[sflag:s0] =	ssyncadd.s32 @!p0 $0xFFFFE000;
	p0 =	seq.s32 s20, $0x0  }
0x15: {  	s0 =	simm.s32 @!p0 $0x7  }
0x16: {  	_ =	swait.ge @!p0 [sflag:s0], $0x2000  }
0x17: {  	s19 =	sadd.s32 $0x1, s19;
	s1 =	rddreg [dreg:$0x7]  }
0x18: {  	p1 =	sne.s32 s19, s1  }
.Ltmp1:
0x19: {  	_ = 	snop;
	(pc) =	sbr.rel @!p1 .LBB2_21-.Ltmp1, $3  }
0x1a: {  	_ =	sdelay $0x1  }
0x1b: {  	[sflag:s0] =	ssyncset.done @!p0 $0x0  }
0x1c: {  	[sflag:s0] =	ssyncadd.s32 @!p0 $0xFFFFE000  }
.LBB2_1:
0x1d: {  	s0 =	sld [smem:$0x7FD];
	_ =	sdelay $0x2  }
0x1e: {  	p0 =	seq.s32 s0, $0x1  }
0x1f: {  	s2 =	rddreg [dreg:$0x2];
	s0 =	simm.s32 @!p0 $0x0;
	s1 =	simm.s32 @!p0 $0x2280  }
0x20: {  	[tilespmem:s1], [sflag:$0x8] =	stream.linear.gather @!p0 [hbm4b:s2+s0], $0x2080, $0x38;
	[tilespmem:$0xC888] =	vst v63  }
0x21: {  	s0 =	simm.s32 @!p0 $0x8  }
0x22: {  	_ =	swait.ge @!p0 [sflag:s0], $0x2080  }
0x23: {  	[sflag:s0] =	ssyncset.done @!p0 $0x0  }
0x24: {  	[sflag:s0] =	ssyncadd.s32 @!p0 $0xFFFFDF80  }
0x25: {  	[spmem:s4] =	stream.linear.scatter @!p0 [tilespmem:s1], [sflag:$0x8], $0x2080, $0x38;
	[tilespmem:$0xC888] =	vst v63  }
0x26: {  	_ =	swait.ge @!p0 [sflag:s0], $0x2080  }
0x27: {  	[sflag:s0] =	ssyncset.done @!p0 $0x0  }
0x28: {  	s26 =	rddreg [dreg:$0x6];
	[sflag:s0] =	ssyncadd.s32 @!p0 $0xFFFFDF80  }
0x29: {  	[tilespmem:s5], [sflag:$0x8] =	stream.linear.gather [hbm4b:s26+s5], $0x10, $0x38;
	[tilespmem:$0xC888] =	vst v63  }
0x2a: {  	_ =	swait.ge [sflag:s9], $0x10  }
0x2b: {  	[sflag:s9] =	ssyncset.done $0x0  }
0x2c: {  	[sflag:s9] =	ssyncadd.s32 $0xFFFFFFF0  }
0x2d: {  	s31 =	simm.s32 $0x80;
	s30 =	rddreg [dreg:$0x1]  }
0x2e: {  	[tilespmem:s31], [sflag:$0x8] =	stream.linear.gather [hbm4b:s30+s5], $0x200, $0x38;
	[tilespmem:$0xC888] =	vst v63  }
.Ltmp2:
0x2f: {  	_ =	swait.ge [sflag:s9], $0x200;
	(pc) =	sbr.rel .LBB2_2-.Ltmp2, $4  }
0x30: {  	s24 =	simm.s32 $0xFFFFFFFF;
	s25 =	simm.s32 $0x0;
	[sflag:s9] =	ssyncset.done $0x0  }
0x31: {  	s20 =	simm.s32 $0x0;
	s21 =	simm.s32 $0x0;
	[sflag:s9] =	ssyncadd.s32 $0xFFFFFE00  }
0x32: {  	s22 =	simm.s32 $0x0;
	s23 =	simm.s32 $0x0;
	v1 =	vld [tilespmem:$0x0];
	[bflag:$0x0] =	sbarrier.arrive $0xFFFF  }
0x33: {  	s28 =	simm.s32 $0xFFFFFFFF;
	s29 =	simm.s32 $0x0;
	s26 =	simm.s32 $0x0  }
.LBB2_15:
0x34: {  	p0 =	seq.s32 s21, $0x0  }
0x35: {  	s7 =	simm.s32 @!p0 $0x6  }
0x36: {  	_ =	swait.ge @!p0 [sflag:s7], $0x2000  }
0x37: {  	[sflag:s7] =	ssyncset.done @!p0 $0x0  }
0x38: {  	[sflag:s7] =	ssyncadd.s32 @!p0 $0xFFFFE000  }
0x39: {  	[tilespmem:s15], [sflag:$0x4] =	stream.indirect.gather [spmem:s4], $0x80, s2, s12, $0xb8;
	[tilespmem:$0xC888] =	vst v63  }
0x3a: {  	_ =	swait.ge [sflag:s16], $0x2000  }
0x3b: {  	s1 =	sshll.u32 s1, $0x4;
	[sflag:s16] =	ssyncset.done $0x0  }
0x3c: {  	s21 =	simm.s32 $0x1;
	s1 =	sadd.s32 s3, s1;
	[sflag:s16] =	ssyncadd.s32 $0xFFFFE000  }
0x3d: {  	[hbm4b:s1+s5] =	stream.linear.scatter [tilespmem:s15], [sflag:$0x6], $0x2000, $0x38;
	[tilespmem:$0xC888] =	vst v63  }
.LBB2_17:
0x3e: {  	s1 =	simm.s32 $0x1  }
0x3f: {  	p0 =	sne.s32 s31, s0;
	s1 =	simm.s32 @!p1 $0x0  }
0x40: {  	s29 =	sadd.s32 $0x1, s29;
	s23 =	sadd.s32 s1, s23;
	s1 =	simm.s32 $0x1  }
0x41: {  	s1 =	simm.s32 @!p0 $0x0;
	p0 =	seq.s32 s29, $0x80  }
.Ltmp3:
0x42: {  	s0 =	simm.s32 $0x1;
	(pc) =	sbr.rel @p0 .LBB2_18-.Ltmp3, $4  }
0x43: {  	s0 =	simm.s32 @!p2 $0x0  }
0x44: {  	s28 =	smov.u32 @p6 s30;
	s22 =	sadd.s32 s0, s22;
	s0 =	simm.s32 $0x1  }
0x45: {  	s24 =	smov.u32 @p5 s30;
	s23 =	simm.s32 @p6 $0x1;
	s0 =	simm.s32 @!p3 $0x0  }
0x46: {  	s22 =	simm.s32 @p5 $0x1;
	s26 =	sxor.u32 s0, s26;
	s25 =	sxor.u32 s1, s25  }
.LBB2_2:
0x47: {  	s0 =	sshrl.u32 s29, $0x3  }
0x48: {  	v2 =	vmov s0  }
0x49: {  	vm0 =	veq.s32 v2, v0  }
0x4a: {  	v2 =	vnsel vm0, $0x0, v1  }
0x4b: {  	(xrf0) =	vadd.scan.msk.s32 $0xffff, v2  }
0x4c: {  	s2 =	sshll.u32 s29, $0x6;
	s0 =	sshll.u32 s0, $0x9  }
0x4d: {  	s0 =	ssub.s32 s2, s0  }
0x4e: {  	s1 =	sand.u32 $0x40, s2;
	s0 =	sand.u32 $0xFFFFFF80, s0  }
0x4f: {  	s0 =	sor.u32 s1, s0  }
0x50: {  	v2 =	vld [tilespmem:s0+$0x80]  }
0x51: {  	v3, _, _ =	vpop (xrf0)  }
0x52: {  	v3 =	vsub.s32 $0x20, v3  }
0x53: {  	v3 =	vbroadcast v3, $0xF;
	_ =	sdelay $0x1  }
0x54: {  	v2 =	vadd.s32 v2, v3  }
0x55: {  	vm12 =	vgt.s32 v2, $0x0  }
0x56: {  	v2 =	vnsel vm12, $0x0, v2  }
0x57: {  	v2 =	vmin.u32 v2, $0x40  }
0x58: {  	[tilespmem:s2+$0x280] =	vst v2  }
0x59: {  	v4 =	vld [tilespmem:s0+$0x90];
	_ =	sdelay $0x4  }
0x5a: {  	v4 =	vadd.s32 v4, v3  }
0x5b: {  	vm13 =	vgt.s32 v4, $0x0  }
0x5c: {  	v4 =	vnsel vm13, $0x0, v4  }
0x5d: {  	v4 =	vmin.u32 v4, $0x40  }
0x5e: {  	[tilespmem:s2+$0x290] =	vst v4  }
0x5f: {  	v5 =	vld [tilespmem:s0+$0xA0];
	_ =	sdelay $0x4  }
0x60: {  	v5 =	vadd.s32 v5, v3  }
0x61: {  	vm14 =	vgt.s32 v5, $0x0  }
0x62: {  	v5 =	vnsel vm14, $0x0, v5  }
0x63: {  	v5 =	vmin.u32 v5, $0x40  }
0x64: {  	[tilespmem:s2+$0x2A0] =	vst v5  }
0x65: {  	v6 =	vld [tilespmem:s0+$0xB0];
	_ =	sdelay $0x4  }
0x66: {  	v3 =	vadd.s32 v6, v3  }
0x67: {  	vm15 =	vgt.s32 v3, $0x0  }
0x68: {  	v62 =	vmin.u32 v2, v4;
	v3 =	vnsel vm15, $0x0, v3  }
0x69: {  	v2 =	vmax.u32 v2, v4;
	v63 =	vmin.u32 v62, v5;
	v3 =	vmin.u32 v3, $0x40  }
0x6a: {  	v2 =	vmax.u32 v2, v5;
	v4 =	vmin.u32 v63, v3  }
0x6b: {  	v2 =	vmax.u32 v2, v3;
	v4 =	vor.u32 $0x80000000, v4  }
0x6c: {  	v2 =	vor.u32 $0x80000000, v2;
	(xrf0) =	vmin.scan.msk.u32 $0xffff, v4  }
0x6d: {  	(xrf0) =	vmax.scan.msk.u32 $0xffff, v2;
	_ =	sdelay $0x4  }
0x6e: {  	v2, _, _ =	vpop (xrf0)  }
0x6f: {  	(v2sf) =	vpush v2, $0xF;
	v2, _, _ =	vpop (xrf0)  }
0x70: {  	(v2sf) =	vpush v2, $0xF;
	_ =	sdelay $0xd  }
0x71: {  	s31 =	spop (v2sf)  }
0x72: {  	s30 =	sxor.u32 $0x80000000, s31;
	s0 =	spop (v2sf)  }
0x73: {  	p3 =	seq.s32 s31, s0;
	p0 =	seq.s32 s30, s28  }
0x74: {  	p1 =	seq.s32 s30, s24;
	p0 =	por !p3, !p0  }
0x75: {  	p2 =	por !p1, !p3;
	p1 =	por !p0, !p0  }
0x76: {  	p4 =	sne.s32 s30, s28;
	p5 =	por !p2, !p2;
	p0 =	por !p1, !p1  }
0x77: {  	p2 =	por !p5, !p4;
	p0 =	por @!p3 p1, p1  }
0x78: {  	p2 =	por !p2, !p2;
	p3 =	por !p0, !p0  }
0x79: {  	p3 =	por @!p2 p0, p0;
	p0 =	seq.s32 s26, $0x0  }
0x7a: {  	s1 =	sadd.s32 s6, s2;
	p6 =	por !p0, !p3  }
0x7b: {  	s10 =	sshll.u32 @p1 s1, $0x4;
	s7 =	simm.s32 @p1 $0x0;
	p6 =	por !p6, !p6  }
.Ltmp4:
0x7c: {  	[tilespmem:s2+$0x2B0] =	vst v3;
	s8 =	simm.s32 @p1 $0x4888;
	s10 =	sadd.s32 @p1 s3, s10;
	(pc) =	sbr.rel @!p6 .LBB2_8-.Ltmp4, $4  }
0x7d: {  	[hbm4b:s10+s7] =	stream.linear.scatter @p1 [tilespmem:s8], [sflag:$0x1], $0x2000, $0x38;
	[tilespmem:$0xC888] =	vst v63  }
0x7e: {  	s2 =	sadd.s32 $0x280, s2;
	s7 =	sshll.u32 @p2 s1, $0x4  }
0x7f: {  	s8 =	simm.s32 @p2 $0x0;
	s10 =	simm.s32 @p2 $0x6888;
	s7 =	sadd.s32 @p2 s3, s7  }
0x80: {  	[hbm4b:s7+s8] =	stream.linear.scatter @p2 [tilespmem:s10], [sflag:$0x2], $0x2000, $0x38;
	[tilespmem:$0xC888] =	vst v63  }
0x81: {  	p0 =	slt.s32 s23, $0x1  }
.Ltmp5:
0x82: {  	_ = 	snop;
	(pc) =	sbr.rel @p0 .LBB2_7-.Ltmp5, $1  }
0x83: {  	_ =	sdelay $0x3  }
0x84: {  	p0 =	sne.s32 s23, $0x1  }
.Ltmp6:
0x85: {  	_ = 	snop;
	(pc) =	sbr.rel @!p0 .LBB2_6-.Ltmp6, $3  }
0x86: {  	_ =	sdelay $0x1  }
0x87: {  	_ =	swait.ge [sflag:s11], $0x2000  }
0x88: {  	s10 =	sadd.s32 $0xFFFFFFFF, s23;
	[sflag:s11] =	ssyncset.done $0x0  }
.LBB2_5:
0x89: {  	p0 =	sne.s32 s10, $0x1;
	s10 =	sadd.s32 $0xFFFFFFFF, s10;
	[sflag:s11] =	ssyncadd.s32 $0xFFFFE000  }
.Ltmp7:
0x8a: {  	(pc) =	sbr.rel @p0 .LBB2_5-.Ltmp7, $3  }
0x8b: {  	_ =	sdelay $0x1  }
0x8c: {  	_ =	swait.ge [sflag:s11], $0x2000  }
0x8d: {  	[sflag:s11] =	ssyncset.done $0x0  }
.LBB2_6:
0x8e: {  	[sflag:s11] =	ssyncadd.s32 $0xFFFFE000  }
.LBB2_7:
0x8f: {  	[tilespmem:s13], [sflag:$0x3] =	stream.indirect.gather [spmem:s4], $0x80, s2, s12, $0xb8;
	[tilespmem:$0xC888] =	vst v63  }
.Ltmp8:
0x90: {  	_ = 	snop;
	(pc) =	sbr.rel .LBB2_14-.Ltmp8, $4  }
0x91: {  	_ =	swait.ge [sflag:s14], $0x2000  }
0x92: {  	s7 =	sshll.u32 s1, $0x4;
	[sflag:s14] =	ssyncset.done $0x0  }
0x93: {  	p5 =	por $0x0, $0x0;
	s7 =	sadd.s32 s3, s7;
	[sflag:s14] =	ssyncadd.s32 $0xFFFFE000  }
0x94: {  	[hbm4b:s7+s5] =	stream.linear.scatter [tilespmem:s13], [sflag:$0x1], $0x2000, $0x38;
	[tilespmem:$0xC888] =	vst v63  }
.LBB2_8:
0x95: {  	p4 =	por !p3, !p3  }
0x96: {  	p0 =	por p0, p4  }
.Ltmp9:
0x97: {  	_ = 	snop;
	(pc) =	sbr.rel @p0 .LBB2_14-.Ltmp9, $2  }
0x98: {  	_ =	sdelay $0x2  }
0x99: {  	p5 =	por $0x0, $0x0  }
0x9a: {  	p0 =	slt.s32 s22, $0x1  }
.Ltmp10:
0x9b: {  	_ = 	snop;
	(pc) =	sbr.rel @p0 .LBB2_13-.Ltmp10, $1  }
0x9c: {  	_ =	sdelay $0x3  }
0x9d: {  	p0 =	sne.s32 s22, $0x1  }
.Ltmp11:
0x9e: {  	_ = 	snop;
	(pc) =	sbr.rel @!p0 .LBB2_12-.Ltmp11, $3  }
0x9f: {  	_ =	sdelay $0x1  }
0xa0: {  	_ =	swait.ge [sflag:s17], $0x2000  }
0xa1: {  	s10 =	sadd.s32 $0xFFFFFFFF, s22;
	[sflag:s17] =	ssyncset.done $0x0  }
.LBB2_11:
0xa2: {  	p0 =	sne.s32 s10, $0x1;
	s10 =	sadd.s32 $0xFFFFFFFF, s10;
	[sflag:s17] =	ssyncadd.s32 $0xFFFFE000  }
.Ltmp12:
0xa3: {  	(pc) =	sbr.rel @p0 .LBB2_11-.Ltmp12, $3  }
0xa4: {  	_ =	sdelay $0x1  }
0xa5: {  	_ =	swait.ge [sflag:s17], $0x2000  }
0xa6: {  	[sflag:s17] =	ssyncset.done $0x0  }
.LBB2_12:
0xa7: {  	[sflag:s17] =	ssyncadd.s32 $0xFFFFE000  }
.LBB2_13:
0xa8: {  	[tilespmem:s18], [sflag:$0x3] =	stream.indirect.gather [spmem:s4], $0x80, s2, s12, $0xb8;
	[tilespmem:$0xC888] =	vst v63  }
0xa9: {  	_ =	swait.ge [sflag:s14], $0x2000  }
0xaa: {  	s7 =	sshll.u32 s1, $0x4;
	[sflag:s14] =	ssyncset.done $0x0  }
0xab: {  	p5 =	por $0x1, $0x1;
	s7 =	sadd.s32 s3, s7;
	[sflag:s14] =	ssyncadd.s32 $0xFFFFE000  }
0xac: {  	[hbm4b:s7+s5] =	stream.linear.scatter [tilespmem:s18], [sflag:$0x2], $0x2000, $0x38;
	[tilespmem:$0xC888] =	vst v63  }
.LBB2_14:
0xad: {  	p0 =	sne.s32 s25, $0x0  }
0xae: {  	p4 =	seq.s32 @!p0 s31, s0  }
0xaf: {  	p0 =	por p0, p4  }
.Ltmp13:
0xb0: {  	_ = 	snop;
	(pc) =	sbr.rel @!p0 .LBB2_15-.Ltmp13, $1  }
0xb1: {  	_ =	sdelay $0x3  }
0xb2: {  	s7 =	simm.s32 @!p6 $0x0  }
0xb3: {  	s7 =	simm.s32 @p6 $0x1;
	p6 =	seq.s32 s25, $0x0  }
0xb4: {  	p0 =	seq.s32 @!p6 s31, s0  }
0xb5: {  	[smem:$0x7FC] =	sst s7;
	s7 =	simm.s32 @!p3 $0x0;
	p4 =	por p0, p6  }
0xb6: {  	s7 =	simm.s32 @p3 $0x1;
	p3 =	por p0, p0;
	p0 =	seq.s32 @!p4 s20, $0x0  }
0xb7: {  	p0 =	por @!p6 p0, p3  }
0xb8: {  	p0 =	por p0, p6  }
0xb9: {  	[smem:$0x7FB] =	sst s7;
	s7 =	simm.s32 @!p0 $0x7  }
0xba: {  	_ =	swait.ge @!p0 [sflag:s7], $0x2000  }
0xbb: {  	[sflag:s7] =	ssyncset.done @!p0 $0x0  }
0xbc: {  	s8 =	simm.s32 @!p4 $0xA888;
	[sflag:s7] =	ssyncadd.s32 @!p0 $0xFFFFE000;
	s7 =	simm.s32 @!p4 $0x40  }
0xbd: {  	[tilespmem:s8], [sflag:$0x5] =	stream.indirect.gather @!p4 [spmem:s4], $0x80, s2, s7, $0xb8;
	[tilespmem:$0xC888] =	vst v63  }
0xbe: {  	s2 =	simm.s32 @!p4 $0x5  }
0xbf: {  	_ =	swait.ge @!p4 [sflag:s2], $0x2000  }
0xc0: {  	s1 =	sshll.u32 @!p4 s1, $0x4;
	[sflag:s2] =	ssyncset.done @!p4 $0x0  }
0xc1: {  	s1 =	sadd.s32 @!p4 s3, s1;
	[sflag:s2] =	ssyncadd.s32 @!p4 $0xFFFFE000;
	s2 =	simm.s32 @!p4 $0x0  }
0xc2: {  	[hbm4b:s1+s2] =	stream.linear.scatter @!p4 [tilespmem:s8], [sflag:$0x7], $0x2000, $0x38;
	[tilespmem:$0xC888] =	vst v63  }
0xc3: {  	p0 =	por !p3, p6;
	s1 =	smov.u32 s20  }
.Ltmp14:
0xc4: {  	s10 =	sld [smem:$0x7FB];
	s1 =	simm.s32 @p0 $0x1;
	(pc) =	sbr.rel .LBB2_17-.Ltmp14, $2  }
0xc5: {  	s1 =	smov.u32 @p6 s20;
	s20 =	sld [smem:$0x7FC];
	_ =	sdelay $0x2  }
0xc6: {  	p3 =	seq.s32 s10, $0x1;
	p6 =	seq.s32 s20, $0x1;
	s20 =	smov.u32 s1  }
.LBB2_18:
0xc7: {  	p0 =	sgt.s32 s23, $0x0  }
.Ltmp15:
0xc8: {  	_ = 	snop;
	(pc) =	sbr.rel @!p0 .LBB2_19-.Ltmp15, $1  }
0xc9: {  	_ =	sdelay $0x3  }
0xca: {  	p0 =	seq.s32 s23, $0x1  }
.Ltmp16:
0xcb: {  	_ = 	snop;
	(pc) =	sbr.rel @p0 .LBB2_24-.Ltmp16, $3  }
0xcc: {  	_ =	sdelay $0x1  }
0xcd: {  	_ =	swait.ge [sflag:s11], $0x2000  }
0xce: {  	s0 =	sadd.s32 $0xFFFFFFFF, s23;
	[sflag:s11] =	ssyncset.done $0x0  }
.LBB2_23:
0xcf: {  	p0 =	seq.s32 s0, $0x1;
	s0 =	sadd.s32 $0xFFFFFFFF, s0;
	[sflag:s11] =	ssyncadd.s32 $0xFFFFE000  }
.Ltmp17:
0xd0: {  	(pc) =	sbr.rel @!p0 .LBB2_23-.Ltmp17, $3  }
0xd1: {  	_ =	sdelay $0x1  }
0xd2: {  	_ =	swait.ge [sflag:s11], $0x2000  }
0xd3: {  	[sflag:s11] =	ssyncset.done $0x0  }
.LBB2_24:
0xd4: {  	[sflag:s11] =	ssyncadd.s32 $0xFFFFE000  }
.LBB2_19:
0xd5: {  	p0 =	sgt.s32 s22, $0x0  }
.Ltmp18:
0xd6: {  	_ = 	snop;
	(pc) =	sbr.rel @!p0 .LBB2_20-.Ltmp18, $1  }
0xd7: {  	_ =	sdelay $0x3  }
0xd8: {  	p0 =	seq.s32 s22, $0x1  }
.Ltmp19:
0xd9: {  	_ = 	snop;
	(pc) =	sbr.rel @p0 .LBB2_27-.Ltmp19, $3  }
0xda: {  	_ =	sdelay $0x1  }
0xdb: {  	_ =	swait.ge [sflag:s17], $0x2000  }
0xdc: {  	s0 =	sadd.s32 $0xFFFFFFFF, s22;
	[sflag:s17] =	ssyncset.done $0x0  }
.LBB2_26:
0xdd: {  	p0 =	seq.s32 s0, $0x1;
	s0 =	sadd.s32 $0xFFFFFFFF, s0;
	[sflag:s17] =	ssyncadd.s32 $0xFFFFE000  }
.Ltmp20:
0xde: {  	(pc) =	sbr.rel @!p0 .LBB2_26-.Ltmp20, $3  }
0xdf: {  	_ =	sdelay $0x1  }
0xe0: {  	_ =	swait.ge [sflag:s17], $0x2000  }
0xe1: {  	[sflag:s17] =	ssyncset.done $0x0  }
.Ltmp21:
0xe2: {  	_ = 	snop;
	(pc) =	sbr.rel .LBB2_27-.Ltmp21, $1  }
0xe3: {  	_ =	sdelay $0x3  }
.LBB2_21:
0xe4: {  	_ =	sfence.sel $0x180000  }
0xe5: {  	[bflag:$0x0] =	sbarrier.arrive $0xFFFF  }
0xe6: {  	_ =	strace $0x90000047  }
0xe7: {  	[bflag:$0x2] =	sbarrier.arrive $0xFFFF  }
0xe8: {  	s1 =	sld [smem:$0x7FD];
	_ =	sdelay $0x2  }
0xe9: {  	s0 =	rddreg [dreg:$0x5];
	p0 =	seq.s32 s1, $0x1  }
0xea: {  	s0 =	sadd.s32 @!p0 $0x100000, s0  }
0xeb: {  	[sflag:s0] =	ssyncadd.tile.s32 @!p0 $0x1;
	_ =	shalt  }
.Lfunc_end2:
_tile_overlayer_lowered:
.L_overlay_start_2:
0xec: {  	(tag) =	ssettag $0x2  }
0xed: {  	s0 =	rddreg [dreg:$0x0];
	s2 =	stileid.u32  }
0xee: {  	s1 =	rddreg [dreg:$0x1];
	p0 =	sne.s32 s2, $0x0  }
0xef: {  	s3 =	rddreg [dreg:$0x2];
	[bflag:$0x3] =	sbarrier.arrive $0xFFFF;
	s2 =	simm.s32 @!p0 $0x1C08  }
0xf0: {  	[timem:s3], [sflag:s2] =	dma.local @!p0 [hbm:s0], s1  }
0xf1: {  	s0 =	simm.s32 @!p0 $0x8  }
0xf2: {  	_ =	swait.ge @!p0 [sflag:s0], s1  }
0xf3: {  	s1 =	ssub.s32 @!p0 $0x0, s1;
	[sflag:s0] =	ssyncset.done @!p0 $0x0  }
0xf4: {  	[sflag:s0] =	ssyncadd.s32 @!p0 s1  }
0xf5: {  	[bflag:$0x3] =	sbarrier.arrive $0xFFFF  }
0xf6: {  	_ =	shalt  }

</sc_bundles>
